<compile_context>
chip_gen: v7x
topology: tpu7x:2x2x1
jax: 0.10.2.dev20260603
libtpu: 0.0.44.dev20260713+nightly
codegen_flags: <defaults>
</compile_context>

<pallas_src>
import functools

import jax
import jax.numpy as jnp
from jax import lax
from jax.experimental import pallas as pl
from jax.experimental.pallas import tpu as pltpu
from jax.experimental.pallas import tpu_sc as plsc

B = 16384
F = 16
L = 16
NC = 2
NS = 16
NW = NC * NS
BPW = B // NW
CH = 128
NCHUNK = BPW // CH


def _sc_body(user_r, item_r, uf, itf, uint_r, iint_r, g_r, out_r,
             uidx, iidx, urows, irows, uintv, iintv, outv, gv, sem):
    c = lax.axis_index("c")
    s = lax.axis_index("s")
    wid = s * NC + c
    base = wid * BPW

    pltpu.sync_copy(user_r.at[wid], uidx)
    pltpu.sync_copy(item_r.at[wid], iidx)
    pltpu.sync_copy(g_r, gv)

    copies = []
    for ci in range(NCHUNK):
        sl = pl.ds(ci * CH, CH)
        copies.append(pltpu.async_copy(uf.at[uidx.at[ci]], urows.at[sl], sem))
        copies.append(pltpu.async_copy(itf.at[iidx.at[ci]], irows.at[sl], sem))
        copies.append(pltpu.async_copy(uint_r.at[uidx.at[ci]], uintv.at[sl], sem))
        copies.append(pltpu.async_copy(iint_r.at[iidx.at[ci]], iintv.at[sl], sem))
    for cp in copies:
        cp.wait()

    iota = lax.iota(jnp.int32, L)
    gvec = gv[...]

    def tile_body(t, carry):
        r0 = t * L
        acc = uintv[pl.ds(r0, L)] + iintv[pl.ds(r0, L)] + gvec
        for j in range(L):
            p = urows[r0 + j, :] * irows[r0 + j, :]
            s = jnp.sum(p)
            acc = jnp.where(iota == j, acc + s, acc)
        outv[pl.ds(r0, L)] = acc
        return carry

    lax.fori_loop(0, BPW // L, tile_body, 0)

    pltpu.sync_copy(outv, out_r.at[pl.ds(base, BPW)])


@functools.partial(
    pl.kernel,
    mesh=plsc.VectorSubcoreMesh(core_axis_name="c", subcore_axis_name="s"),
    out_type=jax.ShapeDtypeStruct((B,), jnp.float32),
    compiler_params=pltpu.CompilerParams(
        needs_layout_passes=False, use_tc_tiling_on_sc=False),
    scratch_types=[
        pltpu.VMEM((NCHUNK, CH), jnp.int32),
        pltpu.VMEM((NCHUNK, CH), jnp.int32),
        pltpu.VMEM((BPW, F), jnp.float32),
        pltpu.VMEM((BPW, F), jnp.float32),
        pltpu.VMEM((BPW,), jnp.float32),
        pltpu.VMEM((BPW,), jnp.float32),
        pltpu.VMEM((BPW,), jnp.float32),
        pltpu.VMEM((L,), jnp.float32),
        pltpu.SemaphoreType.DMA,
    ],
)
def _sc_kernel(*refs):
    _sc_body(*refs)


def kernel(user, item, user_factors, item_factors, user_intercepts,
           item_intercepts, global_intercept):
    user_r = user.reshape(NW, NCHUNK, CH)
    item_r = item.reshape(NW, NCHUNK, CH)
    uint_r = user_intercepts.reshape(-1)
    iint_r = item_intercepts.reshape(-1)
    g_r = jnp.broadcast_to(global_intercept.reshape(()), (L,))
    return _sc_kernel(user_r, item_r, user_factors, item_factors,
                      uint_r, iint_r, g_r)

# --- scband reference (transcript-rebuilt; emitter-appended) ---
"""Pipeline reference for scband-biased-matrix-factorization-11991548690538 (READ-ONLY COPY).

The authoritative reference and input builder live on the scoring server;
editing this copy changes nothing except your own understanding.
"""

import jax, jax.numpy as jnp
import numpy as np

N_USERS = 1000000
N_ITEMS = 1000000
F = 16
B = 16384


def setup_inputs(seed: int = 0) -> dict:
    key = jax.random.key(seed)
    k1, k2, k3, k4 = jax.random.split(key, 4)
    bound_u = float(np.sqrt(6.0 / (N_USERS + F)))
    bound_i = float(np.sqrt(6.0 / (N_ITEMS + F)))
    user_factors = jax.random.uniform(k1, (N_USERS, F), minval=-bound_u, maxval=bound_u, dtype=jnp.float32)
    item_factors = jax.random.uniform(k2, (N_ITEMS, F), minval=-bound_i, maxval=bound_i, dtype=jnp.float32)
    user_intercepts = jnp.zeros((N_USERS, 1), dtype=jnp.float32)
    item_intercepts = jnp.zeros((N_ITEMS, 1), dtype=jnp.float32)
    global_intercept = jnp.zeros((1, 1), dtype=jnp.float32)
    user = jax.random.randint(k3, (B,), 0, N_USERS, dtype=jnp.int32)
    item = jax.random.randint(k4, (B,), 0, N_ITEMS, dtype=jnp.int32)
    return {
        "user": user,
        "item": item,
        "user_factors": user_factors,
        "item_factors": item_factors,
        "user_intercepts": user_intercepts,
        "item_intercepts": item_intercepts,
        "global_intercept": global_intercept,
    }


def reference(user, item, user_factors, item_factors, user_intercepts, item_intercepts, global_intercept):
    pred = jnp.take(user_intercepts, user, axis=0) + jnp.take(item_intercepts, item, axis=0)
    pred = pred + (jnp.take(user_factors, user, axis=0) * jnp.take(item_factors, item, axis=0)).sum(axis=1, keepdims=True)
    pred = pred + global_intercept
    return pred.squeeze()

if __name__ == "__main__":
    import jax
    _d = setup_inputs()
    print(jax.jit(kernel)(*tuple(_d.values())))

</pallas_src>

<mosaic_0001>
#map = affine_map<(d0, d1) -> (0, 0, 0)>
#map1 = affine_map<(d0, d1) -> (0, 0)>
#map2 = affine_map<(d0, d1) -> (0)>
module attributes {stable_mosaic.version = 14 : i64} {
  func.func @_sc_kernel(%arg0: i32, %arg1: i32, %arg2: memref<32x4x128xi32, #tpu.memory_space<hbm>>, %arg3: memref<32x4x128xi32, #tpu.memory_space<hbm>>, %arg4: memref<1000000x16xf32, #tpu.memory_space<hbm>>, %arg5: memref<1000000x16xf32, #tpu.memory_space<hbm>>, %arg6: memref<1000000xf32, #tpu.memory_space<hbm>>, %arg7: memref<1000000xf32, #tpu.memory_space<hbm>>, %arg8: memref<16xf32, #tpu.memory_space<hbm>>, %arg9: memref<16384xf32, #tpu.memory_space<hbm>>, %arg10: memref<4x128xi32, #tpu.memory_space<vmem>>, %arg11: memref<4x128xi32, #tpu.memory_space<vmem>>, %arg12: memref<512x16xf32, #tpu.memory_space<vmem>>, %arg13: memref<512x16xf32, #tpu.memory_space<vmem>>, %arg14: memref<512xf32, #tpu.memory_space<vmem>>, %arg15: memref<512xf32, #tpu.memory_space<vmem>>, %arg16: memref<512xf32, #tpu.memory_space<vmem>>, %arg17: memref<16xf32, #tpu.memory_space<vmem>>, %arg18: memref<!tpu.dma_semaphore, #tpu.memory_space<semaphore_mem>>) attributes {dimension_semantics = [#tpu.dimension_semantics<core_parallel>, #tpu.dimension_semantics<subcore_parallel>], iteration_bounds = array<i64: 2, 16>, scalar_prefetch = 0 : i64, scratch_operands = 9 : i64, tpu.core_type = #tpu.core_type<sc_vector_subcore>, window_params = [{transform_indices = #map}, {transform_indices = #map}, {transform_indices = #map1}, {transform_indices = #map1}, {transform_indices = #map2}, {transform_indices = #map2}, {transform_indices = #map2}, {transform_indices = #map2}]} {
    %mul3A = arith.constant 2 : i32
    %mul3A_0 = arith.muli %arg1, %mul3A : i32
    %add3A = arith.addi %mul3A_0, %arg0 : i32
    %mul3A_1 = arith.constant 512 : i32
    %mul3A_2 = arith.muli %add3A, %mul3A_1 : i32
    "tpu.region"() ({
      %run_scoped3A = tpu.sem_alloc : memref<!tpu.dma_semaphore, #tpu.memory_space<semaphore_mem>>
      %dma_start3A_295 = arith.constant 0 : i32
      %dma_start3A_296 = arith.constant 0 : i32
      %dma_start3A_297 = tpu.memref_slice %arg2[%add3A, %dma_start3A_295, %dma_start3A_296] : memref<32x4x128xi32, #tpu.memory_space<hbm>> -> memref<1x4x128xi32, #tpu.memory_space<hbm>>
      %dma_start3A_298 = tpu.memref_squeeze %dma_start3A_297 : memref<1x4x128xi32, #tpu.memory_space<hbm>> -> memref<4x128xi32, #tpu.memory_space<hbm>>
      %dma_start3A_299 = arith.constant 0 : i32
      %dma_start3A_300 = arith.constant 0 : i32
      %dma_start3A_301 = tpu.memref_slice %arg2[%add3A, %dma_start3A_299, %dma_start3A_300] : memref<32x4x128xi32, #tpu.memory_space<hbm>> -> memref<1x4x128xi32, #tpu.memory_space<hbm>>
      %dma_start3A_302 = tpu.memref_squeeze %dma_start3A_301 : memref<1x4x128xi32, #tpu.memory_space<hbm>> -> memref<4x128xi32, #tpu.memory_space<hbm>>
      tpu.enqueue_dma source(%dma_start3A_302 : memref<4x128xi32, #tpu.memory_space<hbm>>) target(%arg10 : memref<4x128xi32, #tpu.memory_space<vmem>>) target_semaphore(%run_scoped3A : memref<!tpu.dma_semaphore, #tpu.memory_space<semaphore_mem>>)
      %dma_wait3A_303 = arith.constant 0 : i32
      %dma_wait3A_304 = arith.constant 0 : i32
      %dma_wait3A_305 = tpu.memref_slice %arg2[%add3A, %dma_wait3A_303, %dma_wait3A_304] : memref<32x4x128xi32, #tpu.memory_space<hbm>> -> memref<1x4x128xi32, #tpu.memory_space<hbm>>
      %dma_wait3A_306 = tpu.memref_squeeze %dma_wait3A_305 : memref<1x4x128xi32, #tpu.memory_space<hbm>> -> memref<4x128xi32, #tpu.memory_space<hbm>>
      %dma_wait3A_307 = arith.constant 0 : i32
      %dma_wait3A_308 = arith.constant 0 : i32
      %dma_wait3A_309 = tpu.memref_slice %arg2[%add3A, %dma_wait3A_307, %dma_wait3A_308] : memref<32x4x128xi32, #tpu.memory_space<hbm>> -> memref<1x4x128xi32, #tpu.memory_space<hbm>>
      %dma_wait3A_310 = tpu.memref_squeeze %dma_wait3A_309 : memref<1x4x128xi32, #tpu.memory_space<hbm>> -> memref<4x128xi32, #tpu.memory_space<hbm>>
      tpu.wait_dma2 semaphore(%run_scoped3A : memref<!tpu.dma_semaphore, #tpu.memory_space<semaphore_mem>>) src(%dma_wait3A_310 : memref<4x128xi32, #tpu.memory_space<hbm>>) dst(%arg10 : memref<4x128xi32, #tpu.memory_space<vmem>>)
      tpu.yield
    }) : () -> ()
    "tpu.region"() ({
      %run_scoped3A = tpu.sem_alloc : memref<!tpu.dma_semaphore, #tpu.memory_space<semaphore_mem>>
      %dma_start3A_295 = arith.constant 0 : i32
      %dma_start3A_296 = arith.constant 0 : i32
      %dma_start3A_297 = tpu.memref_slice %arg3[%add3A, %dma_start3A_295, %dma_start3A_296] : memref<32x4x128xi32, #tpu.memory_space<hbm>> -> memref<1x4x128xi32, #tpu.memory_space<hbm>>
      %dma_start3A_298 = tpu.memref_squeeze %dma_start3A_297 : memref<1x4x128xi32, #tpu.memory_space<hbm>> -> memref<4x128xi32, #tpu.memory_space<hbm>>
      %dma_start3A_299 = arith.constant 0 : i32
      %dma_start3A_300 = arith.constant 0 : i32
      %dma_start3A_301 = tpu.memref_slice %arg3[%add3A, %dma_start3A_299, %dma_start3A_300] : memref<32x4x128xi32, #tpu.memory_space<hbm>> -> memref<1x4x128xi32, #tpu.memory_space<hbm>>
      %dma_start3A_302 = tpu.memref_squeeze %dma_start3A_301 : memref<1x4x128xi32, #tpu.memory_space<hbm>> -> memref<4x128xi32, #tpu.memory_space<hbm>>
      tpu.enqueue_dma source(%dma_start3A_302 : memref<4x128xi32, #tpu.memory_space<hbm>>) target(%arg11 : memref<4x128xi32, #tpu.memory_space<vmem>>) target_semaphore(%run_scoped3A : memref<!tpu.dma_semaphore, #tpu.memory_space<semaphore_mem>>)
      %dma_wait3A_303 = arith.constant 0 : i32
      %dma_wait3A_304 = arith.constant 0 : i32
      %dma_wait3A_305 = tpu.memref_slice %arg3[%add3A, %dma_wait3A_303, %dma_wait3A_304] : memref<32x4x128xi32, #tpu.memory_space<hbm>> -> memref<1x4x128xi32, #tpu.memory_space<hbm>>
      %dma_wait3A_306 = tpu.memref_squeeze %dma_wait3A_305 : memref<1x4x128xi32, #tpu.memory_space<hbm>> -> memref<4x128xi32, #tpu.memory_space<hbm>>
      %dma_wait3A_307 = arith.constant 0 : i32
      %dma_wait3A_308 = arith.constant 0 : i32
      %dma_wait3A_309 = tpu.memref_slice %arg3[%add3A, %dma_wait3A_307, %dma_wait3A_308] : memref<32x4x128xi32, #tpu.memory_space<hbm>> -> memref<1x4x128xi32, #tpu.memory_space<hbm>>
      %dma_wait3A_310 = tpu.memref_squeeze %dma_wait3A_309 : memref<1x4x128xi32, #tpu.memory_space<hbm>> -> memref<4x128xi32, #tpu.memory_space<hbm>>
      tpu.wait_dma2 semaphore(%run_scoped3A : memref<!tpu.dma_semaphore, #tpu.memory_space<semaphore_mem>>) src(%dma_wait3A_310 : memref<4x128xi32, #tpu.memory_space<hbm>>) dst(%arg11 : memref<4x128xi32, #tpu.memory_space<vmem>>)
      tpu.yield
    }) : () -> ()
    "tpu.region"() ({
      %run_scoped3A = tpu.sem_alloc : memref<!tpu.dma_semaphore, #tpu.memory_space<semaphore_mem>>
      tpu.enqueue_dma source(%arg8 : memref<16xf32, #tpu.memory_space<hbm>>) target(%arg17 : memref<16xf32, #tpu.memory_space<vmem>>) target_semaphore(%run_scoped3A : memref<!tpu.dma_semaphore, #tpu.memory_space<semaphore_mem>>)
      tpu.wait_dma2 semaphore(%run_scoped3A : memref<!tpu.dma_semaphore, #tpu.memory_space<semaphore_mem>>) src(%arg8 : memref<16xf32, #tpu.memory_space<hbm>>) dst(%arg17 : memref<16xf32, #tpu.memory_space<vmem>>)
      tpu.yield
    }) : () -> ()
    %dma_start3A = arith.constant 0 : i32
    %dma_start3A_3 = arith.constant 0 : i32
    %dma_start3A_4 = arith.constant 0 : i32
    %dma_start3A_5 = tpu.memref_slice %arg12[%dma_start3A_3, %dma_start3A_4] : memref<512x16xf32, #tpu.memory_space<vmem>> -> memref<128x16xf32, #tpu.memory_space<vmem>>
    %dma_start3A_6 = arith.constant 0 : i32
    %dma_start3A_7 = tpu.memref_slice %arg10[%dma_start3A, %dma_start3A_6] : memref<4x128xi32, #tpu.memory_space<vmem>> -> memref<1x128xi32, #tpu.memory_space<vmem>>
    %dma_start3A_8 = tpu.memref_squeeze %dma_start3A_7 : memref<1x128xi32, #tpu.memory_space<vmem>> -> memref<128xi32, #tpu.memory_space<vmem>>
    %dma_start3A_9 = arith.constant 0 : i32
    %dma_start3A_10 = arith.constant 0 : i32
    %dma_start3A_11 = tpu.memref_slice %arg4[%dma_start3A_9, %dma_start3A_10] : memref<1000000x16xf32, #tpu.memory_space<hbm>> -> memref<1000000x16xf32, #tpu.memory_space<hbm>>
    tpu.enqueue_indirect_dma source(%dma_start3A_11 : memref<1000000x16xf32, #tpu.memory_space<hbm>>) target(%dma_start3A_5 : memref<128x16xf32, #tpu.memory_space<vmem>>) offsets(%dma_start3A_8 : memref<128xi32, #tpu.memory_space<vmem>>) semaphore(%arg18 : memref<!tpu.dma_semaphore, #tpu.memory_space<semaphore_mem>>)
    %dma_start3A_12 = arith.constant 0 : i32
    %dma_start3A_13 = arith.constant 0 : i32
    %dma_start3A_14 = arith.constant 0 : i32
    %dma_start3A_15 = tpu.memref_slice %arg13[%dma_start3A_13, %dma_start3A_14] : memref<512x16xf32, #tpu.memory_space<vmem>> -> memref<128x16xf32, #tpu.memory_space<vmem>>
    %dma_start3A_16 = arith.constant 0 : i32
    %dma_start3A_17 = tpu.memref_slice %arg11[%dma_start3A_12, %dma_start3A_16] : memref<4x128xi32, #tpu.memory_space<vmem>> -> memref<1x128xi32, #tpu.memory_space<vmem>>
    %dma_start3A_18 = tpu.memref_squeeze %dma_start3A_17 : memref<1x128xi32, #tpu.memory_space<vmem>> -> memref<128xi32, #tpu.memory_space<vmem>>
    %dma_start3A_19 = arith.constant 0 : i32
    %dma_start3A_20 = arith.constant 0 : i32
    %dma_start3A_21 = tpu.memref_slice %arg5[%dma_start3A_19, %dma_start3A_20] : memref<1000000x16xf32, #tpu.memory_space<hbm>> -> memref<1000000x16xf32, #tpu.memory_space<hbm>>
    tpu.enqueue_indirect_dma source(%dma_start3A_21 : memref<1000000x16xf32, #tpu.memory_space<hbm>>) target(%dma_start3A_15 : memref<128x16xf32, #tpu.memory_space<vmem>>) offsets(%dma_start3A_18 : memref<128xi32, #tpu.memory_space<vmem>>) semaphore(%arg18 : memref<!tpu.dma_semaphore, #tpu.memory_space<semaphore_mem>>)
    %dma_start3A_22 = arith.constant 0 : i32
    %dma_start3A_23 = arith.constant 0 : i32
    %dma_start3A_24 = tpu.memref_slice %arg14[%dma_start3A_23] : memref<512xf32, #tpu.memory_space<vmem>> -> memref<128xf32, #tpu.memory_space<vmem>>
    %dma_start3A_25 = arith.constant 0 : i32
    %dma_start3A_26 = tpu.memref_slice %arg10[%dma_start3A_22, %dma_start3A_25] : memref<4x128xi32, #tpu.memory_space<vmem>> -> memref<1x128xi32, #tpu.memory_space<vmem>>
    %dma_start3A_27 = tpu.memref_squeeze %dma_start3A_26 : memref<1x128xi32, #tpu.memory_space<vmem>> -> memref<128xi32, #tpu.memory_space<vmem>>
    %dma_start3A_28 = arith.constant 0 : i32
    %dma_start3A_29 = tpu.memref_slice %arg6[%dma_start3A_28] : memref<1000000xf32, #tpu.memory_space<hbm>> -> memref<1000000xf32, #tpu.memory_space<hbm>>
    tpu.enqueue_indirect_dma source(%dma_start3A_29 : memref<1000000xf32, #tpu.memory_space<hbm>>) target(%dma_start3A_24 : memref<128xf32, #tpu.memory_space<vmem>>) offsets(%dma_start3A_27 : memref<128xi32, #tpu.memory_space<vmem>>) semaphore(%arg18 : memref<!tpu.dma_semaphore, #tpu.memory_space<semaphore_mem>>)
    %dma_start3A_30 = arith.constant 0 : i32
    %dma_start3A_31 = arith.constant 0 : i32
    %dma_start3A_32 = tpu.memref_slice %arg15[%dma_start3A_31] : memref<512xf32, #tpu.memory_space<vmem>> -> memref<128xf32, #tpu.memory_space<vmem>>
    %dma_start3A_33 = arith.constant 0 : i32
    %dma_start3A_34 = tpu.memref_slice %arg11[%dma_start3A_30, %dma_start3A_33] : memref<4x128xi32, #tpu.memory_space<vmem>> -> memref<1x128xi32, #tpu.memory_space<vmem>>
    %dma_start3A_35 = tpu.memref_squeeze %dma_start3A_34 : memref<1x128xi32, #tpu.memory_space<vmem>> -> memref<128xi32, #tpu.memory_space<vmem>>
    %dma_start3A_36 = arith.constant 0 : i32
    %dma_start3A_37 = tpu.memref_slice %arg7[%dma_start3A_36] : memref<1000000xf32, #tpu.memory_space<hbm>> -> memref<1000000xf32, #tpu.memory_space<hbm>>
    tpu.enqueue_indirect_dma source(%dma_start3A_37 : memref<1000000xf32, #tpu.memory_space<hbm>>) target(%dma_start3A_32 : memref<128xf32, #tpu.memory_space<vmem>>) offsets(%dma_start3A_35 : memref<128xi32, #tpu.memory_space<vmem>>) semaphore(%arg18 : memref<!tpu.dma_semaphore, #tpu.memory_space<semaphore_mem>>)
    %dma_start3A_38 = arith.constant 1 : i32
    %dma_start3A_39 = arith.constant 128 : i32
    %dma_start3A_40 = arith.constant 0 : i32
    %dma_start3A_41 = tpu.memref_slice %arg12[%dma_start3A_39, %dma_start3A_40] : memref<512x16xf32, #tpu.memory_space<vmem>> -> memref<128x16xf32, #tpu.memory_space<vmem>>
    %dma_start3A_42 = arith.constant 0 : i32
    %dma_start3A_43 = tpu.memref_slice %arg10[%dma_start3A_38, %dma_start3A_42] : memref<4x128xi32, #tpu.memory_space<vmem>> -> memref<1x128xi32, #tpu.memory_space<vmem>>
    %dma_start3A_44 = tpu.memref_squeeze %dma_start3A_43 : memref<1x128xi32, #tpu.memory_space<vmem>> -> memref<128xi32, #tpu.memory_space<vmem>>
    %dma_start3A_45 = arith.constant 0 : i32
    %dma_start3A_46 = arith.constant 0 : i32
    %dma_start3A_47 = tpu.memref_slice %arg4[%dma_start3A_45, %dma_start3A_46] : memref<1000000x16xf32, #tpu.memory_space<hbm>> -> memref<1000000x16xf32, #tpu.memory_space<hbm>>
    tpu.enqueue_indirect_dma source(%dma_start3A_47 : memref<1000000x16xf32, #tpu.memory_space<hbm>>) target(%dma_start3A_41 : memref<128x16xf32, #tpu.memory_space<vmem>>) offsets(%dma_start3A_44 : memref<128xi32, #tpu.memory_space<vmem>>) semaphore(%arg18 : memref<!tpu.dma_semaphore, #tpu.memory_space<semaphore_mem>>)
    %dma_start3A_48 = arith.constant 1 : i32
    %dma_start3A_49 = arith.constant 128 : i32
    %dma_start3A_50 = arith.constant 0 : i32
    %dma_start3A_51 = tpu.memref_slice %arg13[%dma_start3A_49, %dma_start3A_50] : memref<512x16xf32, #tpu.memory_space<vmem>> -> memref<128x16xf32, #tpu.memory_space<vmem>>
    %dma_start3A_52 = arith.constant 0 : i32
    %dma_start3A_53 = tpu.memref_slice %arg11[%dma_start3A_48, %dma_start3A_52] : memref<4x128xi32, #tpu.memory_space<vmem>> -> memref<1x128xi32, #tpu.memory_space<vmem>>
    %dma_start3A_54 = tpu.memref_squeeze %dma_start3A_53 : memref<1x128xi32, #tpu.memory_space<vmem>> -> memref<128xi32, #tpu.memory_space<vmem>>
    %dma_start3A_55 = arith.constant 0 : i32
    %dma_start3A_56 = arith.constant 0 : i32
    %dma_start3A_57 = tpu.memref_slice %arg5[%dma_start3A_55, %dma_start3A_56] : memref<1000000x16xf32, #tpu.memory_space<hbm>> -> memref<1000000x16xf32, #tpu.memory_space<hbm>>
    tpu.enqueue_indirect_dma source(%dma_start3A_57 : memref<1000000x16xf32, #tpu.memory_space<hbm>>) target(%dma_start3A_51 : memref<128x16xf32, #tpu.memory_space<vmem>>) offsets(%dma_start3A_54 : memref<128xi32, #tpu.memory_space<vmem>>) semaphore(%arg18 : memref<!tpu.dma_semaphore, #tpu.memory_space<semaphore_mem>>)
    %dma_start3A_58 = arith.constant 1 : i32
    %dma_start3A_59 = arith.constant 128 : i32
    %dma_start3A_60 = tpu.memref_slice %arg14[%dma_start3A_59] : memref<512xf32, #tpu.memory_space<vmem>> -> memref<128xf32, #tpu.memory_space<vmem>>
    %dma_start3A_61 = arith.constant 0 : i32
    %dma_start3A_62 = tpu.memref_slice %arg10[%dma_start3A_58, %dma_start3A_61] : memref<4x128xi32, #tpu.memory_space<vmem>> -> memref<1x128xi32, #tpu.memory_space<vmem>>
    %dma_start3A_63 = tpu.memref_squeeze %dma_start3A_62 : memref<1x128xi32, #tpu.memory_space<vmem>> -> memref<128xi32, #tpu.memory_space<vmem>>
    %dma_start3A_64 = arith.constant 0 : i32
    %dma_start3A_65 = tpu.memref_slice %arg6[%dma_start3A_64] : memref<1000000xf32, #tpu.memory_space<hbm>> -> memref<1000000xf32, #tpu.memory_space<hbm>>
    tpu.enqueue_indirect_dma source(%dma_start3A_65 : memref<1000000xf32, #tpu.memory_space<hbm>>) target(%dma_start3A_60 : memref<128xf32, #tpu.memory_space<vmem>>) offsets(%dma_start3A_63 : memref<128xi32, #tpu.memory_space<vmem>>) semaphore(%arg18 : memref<!tpu.dma_semaphore, #tpu.memory_space<semaphore_mem>>)
    %dma_start3A_66 = arith.constant 1 : i32
    %dma_start3A_67 = arith.constant 128 : i32
    %dma_start3A_68 = tpu.memref_slice %arg15[%dma_start3A_67] : memref<512xf32, #tpu.memory_space<vmem>> -> memref<128xf32, #tpu.memory_space<vmem>>
    %dma_start3A_69 = arith.constant 0 : i32
    %dma_start3A_70 = tpu.memref_slice %arg11[%dma_start3A_66, %dma_start3A_69] : memref<4x128xi32, #tpu.memory_space<vmem>> -> memref<1x128xi32, #tpu.memory_space<vmem>>
    %dma_start3A_71 = tpu.memref_squeeze %dma_start3A_70 : memref<1x128xi32, #tpu.memory_space<vmem>> -> memref<128xi32, #tpu.memory_space<vmem>>
    %dma_start3A_72 = arith.constant 0 : i32
    %dma_start3A_73 = tpu.memref_slice %arg7[%dma_start3A_72] : memref<1000000xf32, #tpu.memory_space<hbm>> -> memref<1000000xf32, #tpu.memory_space<hbm>>
    tpu.enqueue_indirect_dma source(%dma_start3A_73 : memref<1000000xf32, #tpu.memory_space<hbm>>) target(%dma_start3A_68 : memref<128xf32, #tpu.memory_space<vmem>>) offsets(%dma_start3A_71 : memref<128xi32, #tpu.memory_space<vmem>>) semaphore(%arg18 : memref<!tpu.dma_semaphore, #tpu.memory_space<semaphore_mem>>)
    %dma_start3A_74 = arith.constant 2 : i32
    %dma_start3A_75 = arith.constant 256 : i32
    %dma_start3A_76 = arith.constant 0 : i32
    %dma_start3A_77 = tpu.memref_slice %arg12[%dma_start3A_75, %dma_start3A_76] : memref<512x16xf32, #tpu.memory_space<vmem>> -> memref<128x16xf32, #tpu.memory_space<vmem>>
    %dma_start3A_78 = arith.constant 0 : i32
    %dma_start3A_79 = tpu.memref_slice %arg10[%dma_start3A_74, %dma_start3A_78] : memref<4x128xi32, #tpu.memory_space<vmem>> -> memref<1x128xi32, #tpu.memory_space<vmem>>
    %dma_start3A_80 = tpu.memref_squeeze %dma_start3A_79 : memref<1x128xi32, #tpu.memory_space<vmem>> -> memref<128xi32, #tpu.memory_space<vmem>>
    %dma_start3A_81 = arith.constant 0 : i32
    %dma_start3A_82 = arith.constant 0 : i32
    %dma_start3A_83 = tpu.memref_slice %arg4[%dma_start3A_81, %dma_start3A_82] : memref<1000000x16xf32, #tpu.memory_space<hbm>> -> memref<1000000x16xf32, #tpu.memory_space<hbm>>
    tpu.enqueue_indirect_dma source(%dma_start3A_83 : memref<1000000x16xf32, #tpu.memory_space<hbm>>) target(%dma_start3A_77 : memref<128x16xf32, #tpu.memory_space<vmem>>) offsets(%dma_start3A_80 : memref<128xi32, #tpu.memory_space<vmem>>) semaphore(%arg18 : memref<!tpu.dma_semaphore, #tpu.memory_space<semaphore_mem>>)
    %dma_start3A_84 = arith.constant 2 : i32
    %dma_start3A_85 = arith.constant 256 : i32
    %dma_start3A_86 = arith.constant 0 : i32
    %dma_start3A_87 = tpu.memref_slice %arg13[%dma_start3A_85, %dma_start3A_86] : memref<512x16xf32, #tpu.memory_space<vmem>> -> memref<128x16xf32, #tpu.memory_space<vmem>>
    %dma_start3A_88 = arith.constant 0 : i32
    %dma_start3A_89 = tpu.memref_slice %arg11[%dma_start3A_84, %dma_start3A_88] : memref<4x128xi32, #tpu.memory_space<vmem>> -> memref<1x128xi32, #tpu.memory_space<vmem>>
    %dma_start3A_90 = tpu.memref_squeeze %dma_start3A_89 : memref<1x128xi32, #tpu.memory_space<vmem>> -> memref<128xi32, #tpu.memory_space<vmem>>
    %dma_start3A_91 = arith.constant 0 : i32
    %dma_start3A_92 = arith.constant 0 : i32
    %dma_start3A_93 = tpu.memref_slice %arg5[%dma_start3A_91, %dma_start3A_92] : memref<1000000x16xf32, #tpu.memory_space<hbm>> -> memref<1000000x16xf32, #tpu.memory_space<hbm>>
    tpu.enqueue_indirect_dma source(%dma_start3A_93 : memref<1000000x16xf32, #tpu.memory_space<hbm>>) target(%dma_start3A_87 : memref<128x16xf32, #tpu.memory_space<vmem>>) offsets(%dma_start3A_90 : memref<128xi32, #tpu.memory_space<vmem>>) semaphore(%arg18 : memref<!tpu.dma_semaphore, #tpu.memory_space<semaphore_mem>>)
    %dma_start3A_94 = arith.constant 2 : i32
    %dma_start3A_95 = arith.constant 256 : i32
    %dma_start3A_96 = tpu.memref_slice %arg14[%dma_start3A_95] : memref<512xf32, #tpu.memory_space<vmem>> -> memref<128xf32, #tpu.memory_space<vmem>>
    %dma_start3A_97 = arith.constant 0 : i32
    %dma_start3A_98 = tpu.memref_slice %arg10[%dma_start3A_94, %dma_start3A_97] : memref<4x128xi32, #tpu.memory_space<vmem>> -> memref<1x128xi32, #tpu.memory_space<vmem>>
    %dma_start3A_99 = tpu.memref_squeeze %dma_start3A_98 : memref<1x128xi32, #tpu.memory_space<vmem>> -> memref<128xi32, #tpu.memory_space<vmem>>
    %dma_start3A_100 = arith.constant 0 : i32
    %dma_start3A_101 = tpu.memref_slice %arg6[%dma_start3A_100] : memref<1000000xf32, #tpu.memory_space<hbm>> -> memref<1000000xf32, #tpu.memory_space<hbm>>
    tpu.enqueue_indirect_dma source(%dma_start3A_101 : memref<1000000xf32, #tpu.memory_space<hbm>>) target(%dma_start3A_96 : memref<128xf32, #tpu.memory_space<vmem>>) offsets(%dma_start3A_99 : memref<128xi32, #tpu.memory_space<vmem>>) semaphore(%arg18 : memref<!tpu.dma_semaphore, #tpu.memory_space<semaphore_mem>>)
    %dma_start3A_102 = arith.constant 2 : i32
    %dma_start3A_103 = arith.constant 256 : i32
    %dma_start3A_104 = tpu.memref_slice %arg15[%dma_start3A_103] : memref<512xf32, #tpu.memory_space<vmem>> -> memref<128xf32, #tpu.memory_space<vmem>>
    %dma_start3A_105 = arith.constant 0 : i32
    %dma_start3A_106 = tpu.memref_slice %arg11[%dma_start3A_102, %dma_start3A_105] : memref<4x128xi32, #tpu.memory_space<vmem>> -> memref<1x128xi32, #tpu.memory_space<vmem>>
    %dma_start3A_107 = tpu.memref_squeeze %dma_start3A_106 : memref<1x128xi32, #tpu.memory_space<vmem>> -> memref<128xi32, #tpu.memory_space<vmem>>
    %dma_start3A_108 = arith.constant 0 : i32
    %dma_start3A_109 = tpu.memref_slice %arg7[%dma_start3A_108] : memref<1000000xf32, #tpu.memory_space<hbm>> -> memref<1000000xf32, #tpu.memory_space<hbm>>
    tpu.enqueue_indirect_dma source(%dma_start3A_109 : memref<1000000xf32, #tpu.memory_space<hbm>>) target(%dma_start3A_104 : memref<128xf32, #tpu.memory_space<vmem>>) offsets(%dma_start3A_107 : memref<128xi32, #tpu.memory_space<vmem>>) semaphore(%arg18 : memref<!tpu.dma_semaphore, #tpu.memory_space<semaphore_mem>>)
    %dma_start3A_110 = arith.constant 3 : i32
    %dma_start3A_111 = arith.constant 384 : i32
    %dma_start3A_112 = arith.constant 0 : i32
    %dma_start3A_113 = tpu.memref_slice %arg12[%dma_start3A_111, %dma_start3A_112] : memref<512x16xf32, #tpu.memory_space<vmem>> -> memref<128x16xf32, #tpu.memory_space<vmem>>
    %dma_start3A_114 = arith.constant 0 : i32
    %dma_start3A_115 = tpu.memref_slice %arg10[%dma_start3A_110, %dma_start3A_114] : memref<4x128xi32, #tpu.memory_space<vmem>> -> memref<1x128xi32, #tpu.memory_space<vmem>>
    %dma_start3A_116 = tpu.memref_squeeze %dma_start3A_115 : memref<1x128xi32, #tpu.memory_space<vmem>> -> memref<128xi32, #tpu.memory_space<vmem>>
    %dma_start3A_117 = arith.constant 0 : i32
    %dma_start3A_118 = arith.constant 0 : i32
    %dma_start3A_119 = tpu.memref_slice %arg4[%dma_start3A_117, %dma_start3A_118] : memref<1000000x16xf32, #tpu.memory_space<hbm>> -> memref<1000000x16xf32, #tpu.memory_space<hbm>>
    tpu.enqueue_indirect_dma source(%dma_start3A_119 : memref<1000000x16xf32, #tpu.memory_space<hbm>>) target(%dma_start3A_113 : memref<128x16xf32, #tpu.memory_space<vmem>>) offsets(%dma_start3A_116 : memref<128xi32, #tpu.memory_space<vmem>>) semaphore(%arg18 : memref<!tpu.dma_semaphore, #tpu.memory_space<semaphore_mem>>)
    %dma_start3A_120 = arith.constant 3 : i32
    %dma_start3A_121 = arith.constant 384 : i32
    %dma_start3A_122 = arith.constant 0 : i32
    %dma_start3A_123 = tpu.memref_slice %arg13[%dma_start3A_121, %dma_start3A_122] : memref<512x16xf32, #tpu.memory_space<vmem>> -> memref<128x16xf32, #tpu.memory_space<vmem>>
    %dma_start3A_124 = arith.constant 0 : i32
    %dma_start3A_125 = tpu.memref_slice %arg11[%dma_start3A_120, %dma_start3A_124] : memref<4x128xi32, #tpu.memory_space<vmem>> -> memref<1x128xi32, #tpu.memory_space<vmem>>
    %dma_start3A_126 = tpu.memref_squeeze %dma_start3A_125 : memref<1x128xi32, #tpu.memory_space<vmem>> -> memref<128xi32, #tpu.memory_space<vmem>>
    %dma_start3A_127 = arith.constant 0 : i32
    %dma_start3A_128 = arith.constant 0 : i32
    %dma_start3A_129 = tpu.memref_slice %arg5[%dma_start3A_127, %dma_start3A_128] : memref<1000000x16xf32, #tpu.memory_space<hbm>> -> memref<1000000x16xf32, #tpu.memory_space<hbm>>
    tpu.enqueue_indirect_dma source(%dma_start3A_129 : memref<1000000x16xf32, #tpu.memory_space<hbm>>) target(%dma_start3A_123 : memref<128x16xf32, #tpu.memory_space<vmem>>) offsets(%dma_start3A_126 : memref<128xi32, #tpu.memory_space<vmem>>) semaphore(%arg18 : memref<!tpu.dma_semaphore, #tpu.memory_space<semaphore_mem>>)
    %dma_start3A_130 = arith.constant 3 : i32
    %dma_start3A_131 = arith.constant 384 : i32
    %dma_start3A_132 = tpu.memref_slice %arg14[%dma_start3A_131] : memref<512xf32, #tpu.memory_space<vmem>> -> memref<128xf32, #tpu.memory_space<vmem>>
    %dma_start3A_133 = arith.constant 0 : i32
    %dma_start3A_134 = tpu.memref_slice %arg10[%dma_start3A_130, %dma_start3A_133] : memref<4x128xi32, #tpu.memory_space<vmem>> -> memref<1x128xi32, #tpu.memory_space<vmem>>
    %dma_start3A_135 = tpu.memref_squeeze %dma_start3A_134 : memref<1x128xi32, #tpu.memory_space<vmem>> -> memref<128xi32, #tpu.memory_space<vmem>>
    %dma_start3A_136 = arith.constant 0 : i32
    %dma_start3A_137 = tpu.memref_slice %arg6[%dma_start3A_136] : memref<1000000xf32, #tpu.memory_space<hbm>> -> memref<1000000xf32, #tpu.memory_space<hbm>>
    tpu.enqueue_indirect_dma source(%dma_start3A_137 : memref<1000000xf32, #tpu.memory_space<hbm>>) target(%dma_start3A_132 : memref<128xf32, #tpu.memory_space<vmem>>) offsets(%dma_start3A_135 : memref<128xi32, #tpu.memory_space<vmem>>) semaphore(%arg18 : memref<!tpu.dma_semaphore, #tpu.memory_space<semaphore_mem>>)
    %dma_start3A_138 = arith.constant 3 : i32
    %dma_start3A_139 = arith.constant 384 : i32
    %dma_start3A_140 = tpu.memref_slice %arg15[%dma_start3A_139] : memref<512xf32, #tpu.memory_space<vmem>> -> memref<128xf32, #tpu.memory_space<vmem>>
    %dma_start3A_141 = arith.constant 0 : i32
    %dma_start3A_142 = tpu.memref_slice %arg11[%dma_start3A_138, %dma_start3A_141] : memref<4x128xi32, #tpu.memory_space<vmem>> -> memref<1x128xi32, #tpu.memory_space<vmem>>
    %dma_start3A_143 = tpu.memref_squeeze %dma_start3A_142 : memref<1x128xi32, #tpu.memory_space<vmem>> -> memref<128xi32, #tpu.memory_space<vmem>>
    %dma_start3A_144 = arith.constant 0 : i32
    %dma_start3A_145 = tpu.memref_slice %arg7[%dma_start3A_144] : memref<1000000xf32, #tpu.memory_space<hbm>> -> memref<1000000xf32, #tpu.memory_space<hbm>>
    tpu.enqueue_indirect_dma source(%dma_start3A_145 : memref<1000000xf32, #tpu.memory_space<hbm>>) target(%dma_start3A_140 : memref<128xf32, #tpu.memory_space<vmem>>) offsets(%dma_start3A_143 : memref<128xi32, #tpu.memory_space<vmem>>) semaphore(%arg18 : memref<!tpu.dma_semaphore, #tpu.memory_space<semaphore_mem>>)
    %dma_wait3A = arith.constant 0 : i32
    %dma_wait3A_146 = arith.constant 0 : i32
    %dma_wait3A_147 = arith.constant 0 : i32
    %dma_wait3A_148 = tpu.memref_slice %arg12[%dma_wait3A_146, %dma_wait3A_147] : memref<512x16xf32, #tpu.memory_space<vmem>> -> memref<128x16xf32, #tpu.memory_space<vmem>>
    %dma_wait3A_149 = arith.constant 0 : i32
    %dma_wait3A_150 = tpu.memref_slice %arg10[%dma_wait3A, %dma_wait3A_149] : memref<4x128xi32, #tpu.memory_space<vmem>> -> memref<1x128xi32, #tpu.memory_space<vmem>>
    %dma_wait3A_151 = tpu.memref_squeeze %dma_wait3A_150 : memref<1x128xi32, #tpu.memory_space<vmem>> -> memref<128xi32, #tpu.memory_space<vmem>>
    %dma_wait3A_152 = arith.constant 0 : i32
    %dma_wait3A_153 = arith.constant 0 : i32
    %dma_wait3A_154 = tpu.memref_slice %arg4[%dma_wait3A_152, %dma_wait3A_153] : memref<1000000x16xf32, #tpu.memory_space<hbm>> -> memref<1000000x16xf32, #tpu.memory_space<hbm>>
    tpu.wait_indirect_dma semaphore(%arg18 : memref<!tpu.dma_semaphore, #tpu.memory_space<semaphore_mem>>) src(%dma_wait3A_154 : memref<1000000x16xf32, #tpu.memory_space<hbm>>) dst(%dma_wait3A_148 : memref<128x16xf32, #tpu.memory_space<vmem>>)
    %dma_wait3A_155 = arith.constant 0 : i32
    %dma_wait3A_156 = arith.constant 0 : i32
    %dma_wait3A_157 = arith.constant 0 : i32
    %dma_wait3A_158 = tpu.memref_slice %arg13[%dma_wait3A_156, %dma_wait3A_157] : memref<512x16xf32, #tpu.memory_space<vmem>> -> memref<128x16xf32, #tpu.memory_space<vmem>>
    %dma_wait3A_159 = arith.constant 0 : i32
    %dma_wait3A_160 = tpu.memref_slice %arg11[%dma_wait3A_155, %dma_wait3A_159] : memref<4x128xi32, #tpu.memory_space<vmem>> -> memref<1x128xi32, #tpu.memory_space<vmem>>
    %dma_wait3A_161 = tpu.memref_squeeze %dma_wait3A_160 : memref<1x128xi32, #tpu.memory_space<vmem>> -> memref<128xi32, #tpu.memory_space<vmem>>
    %dma_wait3A_162 = arith.constant 0 : i32
    %dma_wait3A_163 = arith.constant 0 : i32
    %dma_wait3A_164 = tpu.memref_slice %arg5[%dma_wait3A_162, %dma_wait3A_163] : memref<1000000x16xf32, #tpu.memory_space<hbm>> -> memref<1000000x16xf32, #tpu.memory_space<hbm>>
    tpu.wait_indirect_dma semaphore(%arg18 : memref<!tpu.dma_semaphore, #tpu.memory_space<semaphore_mem>>) src(%dma_wait3A_164 : memref<1000000x16xf32, #tpu.memory_space<hbm>>) dst(%dma_wait3A_158 : memref<128x16xf32, #tpu.memory_space<vmem>>)
    %dma_wait3A_165 = arith.constant 0 : i32
    %dma_wait3A_166 = arith.constant 0 : i32
    %dma_wait3A_167 = tpu.memref_slice %arg14[%dma_wait3A_166] : memref<512xf32, #tpu.memory_space<vmem>> -> memref<128xf32, #tpu.memory_space<vmem>>
    %dma_wait3A_168 = arith.constant 0 : i32
    %dma_wait3A_169 = tpu.memref_slice %arg10[%dma_wait3A_165, %dma_wait3A_168] : memref<4x128xi32, #tpu.memory_space<vmem>> -> memref<1x128xi32, #tpu.memory_space<vmem>>
    %dma_wait3A_170 = tpu.memref_squeeze %dma_wait3A_169 : memref<1x128xi32, #tpu.memory_space<vmem>> -> memref<128xi32, #tpu.memory_space<vmem>>
    %dma_wait3A_171 = arith.constant 0 : i32
    %dma_wait3A_172 = tpu.memref_slice %arg6[%dma_wait3A_171] : memref<1000000xf32, #tpu.memory_space<hbm>> -> memref<1000000xf32, #tpu.memory_space<hbm>>
    tpu.wait_indirect_dma semaphore(%arg18 : memref<!tpu.dma_semaphore, #tpu.memory_space<semaphore_mem>>) src(%dma_wait3A_172 : memref<1000000xf32, #tpu.memory_space<hbm>>) dst(%dma_wait3A_167 : memref<128xf32, #tpu.memory_space<vmem>>)
    %dma_wait3A_173 = arith.constant 0 : i32
    %dma_wait3A_174 = arith.constant 0 : i32
    %dma_wait3A_175 = tpu.memref_slice %arg15[%dma_wait3A_174] : memref<512xf32, #tpu.memory_space<vmem>> -> memref<128xf32, #tpu.memory_space<vmem>>
    %dma_wait3A_176 = arith.constant 0 : i32
    %dma_wait3A_177 = tpu.memref_slice %arg11[%dma_wait3A_173, %dma_wait3A_176] : memref<4x128xi32, #tpu.memory_space<vmem>> -> memref<1x128xi32, #tpu.memory_space<vmem>>
    %dma_wait3A_178 = tpu.memref_squeeze %dma_wait3A_177 : memref<1x128xi32, #tpu.memory_space<vmem>> -> memref<128xi32, #tpu.memory_space<vmem>>
    %dma_wait3A_179 = arith.constant 0 : i32
    %dma_wait3A_180 = tpu.memref_slice %arg7[%dma_wait3A_179] : memref<1000000xf32, #tpu.memory_space<hbm>> -> memref<1000000xf32, #tpu.memory_space<hbm>>
    tpu.wait_indirect_dma semaphore(%arg18 : memref<!tpu.dma_semaphore, #tpu.memory_space<semaphore_mem>>) src(%dma_wait3A_180 : memref<1000000xf32, #tpu.memory_space<hbm>>) dst(%dma_wait3A_175 : memref<128xf32, #tpu.memory_space<vmem>>)
    %dma_wait3A_181 = arith.constant 1 : i32
    %dma_wait3A_182 = arith.constant 128 : i32
    %dma_wait3A_183 = arith.constant 0 : i32
    %dma_wait3A_184 = tpu.memref_slice %arg12[%dma_wait3A_182, %dma_wait3A_183] : memref<512x16xf32, #tpu.memory_space<vmem>> -> memref<128x16xf32, #tpu.memory_space<vmem>>
    %dma_wait3A_185 = arith.constant 0 : i32
    %dma_wait3A_186 = tpu.memref_slice %arg10[%dma_wait3A_181, %dma_wait3A_185] : memref<4x128xi32, #tpu.memory_space<vmem>> -> memref<1x128xi32, #tpu.memory_space<vmem>>
    %dma_wait3A_187 = tpu.memref_squeeze %dma_wait3A_186 : memref<1x128xi32, #tpu.memory_space<vmem>> -> memref<128xi32, #tpu.memory_space<vmem>>
    %dma_wait3A_188 = arith.constant 0 : i32
    %dma_wait3A_189 = arith.constant 0 : i32
    %dma_wait3A_190 = tpu.memref_slice %arg4[%dma_wait3A_188, %dma_wait3A_189] : memref<1000000x16xf32, #tpu.memory_space<hbm>> -> memref<1000000x16xf32, #tpu.memory_space<hbm>>
    tpu.wait_indirect_dma semaphore(%arg18 : memref<!tpu.dma_semaphore, #tpu.memory_space<semaphore_mem>>) src(%dma_wait3A_190 : memref<1000000x16xf32, #tpu.memory_space<hbm>>) dst(%dma_wait3A_184 : memref<128x16xf32, #tpu.memory_space<vmem>>)
    %dma_wait3A_191 = arith.constant 1 : i32
    %dma_wait3A_192 = arith.constant 128 : i32
    %dma_wait3A_193 = arith.constant 0 : i32
    %dma_wait3A_194 = tpu.memref_slice %arg13[%dma_wait3A_192, %dma_wait3A_193] : memref<512x16xf32, #tpu.memory_space<vmem>> -> memref<128x16xf32, #tpu.memory_space<vmem>>
    %dma_wait3A_195 = arith.constant 0 : i32
    %dma_wait3A_196 = tpu.memref_slice %arg11[%dma_wait3A_191, %dma_wait3A_195] : memref<4x128xi32, #tpu.memory_space<vmem>> -> memref<1x128xi32, #tpu.memory_space<vmem>>
    %dma_wait3A_197 = tpu.memref_squeeze %dma_wait3A_196 : memref<1x128xi32, #tpu.memory_space<vmem>> -> memref<128xi32, #tpu.memory_space<vmem>>
    %dma_wait3A_198 = arith.constant 0 : i32
    %dma_wait3A_199 = arith.constant 0 : i32
    %dma_wait3A_200 = tpu.memref_slice %arg5[%dma_wait3A_198, %dma_wait3A_199] : memref<1000000x16xf32, #tpu.memory_space<hbm>> -> memref<1000000x16xf32, #tpu.memory_space<hbm>>
    tpu.wait_indirect_dma semaphore(%arg18 : memref<!tpu.dma_semaphore, #tpu.memory_space<semaphore_mem>>) src(%dma_wait3A_200 : memref<1000000x16xf32, #tpu.memory_space<hbm>>) dst(%dma_wait3A_194 : memref<128x16xf32, #tpu.memory_space<vmem>>)
    %dma_wait3A_201 = arith.constant 1 : i32
    %dma_wait3A_202 = arith.constant 128 : i32
    %dma_wait3A_203 = tpu.memref_slice %arg14[%dma_wait3A_202] : memref<512xf32, #tpu.memory_space<vmem>> -> memref<128xf32, #tpu.memory_space<vmem>>
    %dma_wait3A_204 = arith.constant 0 : i32
    %dma_wait3A_205 = tpu.memref_slice %arg10[%dma_wait3A_201, %dma_wait3A_204] : memref<4x128xi32, #tpu.memory_space<vmem>> -> memref<1x128xi32, #tpu.memory_space<vmem>>
    %dma_wait3A_206 = tpu.memref_squeeze %dma_wait3A_205 : memref<1x128xi32, #tpu.memory_space<vmem>> -> memref<128xi32, #tpu.memory_space<vmem>>
    %dma_wait3A_207 = arith.constant 0 : i32
    %dma_wait3A_208 = tpu.memref_slice %arg6[%dma_wait3A_207] : memref<1000000xf32, #tpu.memory_space<hbm>> -> memref<1000000xf32, #tpu.memory_space<hbm>>
    tpu.wait_indirect_dma semaphore(%arg18 : memref<!tpu.dma_semaphore, #tpu.memory_space<semaphore_mem>>) src(%dma_wait3A_208 : memref<1000000xf32, #tpu.memory_space<hbm>>) dst(%dma_wait3A_203 : memref<128xf32, #tpu.memory_space<vmem>>)
    %dma_wait3A_209 = arith.constant 1 : i32
    %dma_wait3A_210 = arith.constant 128 : i32
    %dma_wait3A_211 = tpu.memref_slice %arg15[%dma_wait3A_210] : memref<512xf32, #tpu.memory_space<vmem>> -> memref<128xf32, #tpu.memory_space<vmem>>
    %dma_wait3A_212 = arith.constant 0 : i32
    %dma_wait3A_213 = tpu.memref_slice %arg11[%dma_wait3A_209, %dma_wait3A_212] : memref<4x128xi32, #tpu.memory_space<vmem>> -> memref<1x128xi32, #tpu.memory_space<vmem>>
    %dma_wait3A_214 = tpu.memref_squeeze %dma_wait3A_213 : memref<1x128xi32, #tpu.memory_space<vmem>> -> memref<128xi32, #tpu.memory_space<vmem>>
    %dma_wait3A_215 = arith.constant 0 : i32
    %dma_wait3A_216 = tpu.memref_slice %arg7[%dma_wait3A_215] : memref<1000000xf32, #tpu.memory_space<hbm>> -> memref<1000000xf32, #tpu.memory_space<hbm>>
    tpu.wait_indirect_dma semaphore(%arg18 : memref<!tpu.dma_semaphore, #tpu.memory_space<semaphore_mem>>) src(%dma_wait3A_216 : memref<1000000xf32, #tpu.memory_space<hbm>>) dst(%dma_wait3A_211 : memref<128xf32, #tpu.memory_space<vmem>>)
    %dma_wait3A_217 = arith.constant 2 : i32
    %dma_wait3A_218 = arith.constant 256 : i32
    %dma_wait3A_219 = arith.constant 0 : i32
    %dma_wait3A_220 = tpu.memref_slice %arg12[%dma_wait3A_218, %dma_wait3A_219] : memref<512x16xf32, #tpu.memory_space<vmem>> -> memref<128x16xf32, #tpu.memory_space<vmem>>
    %dma_wait3A_221 = arith.constant 0 : i32
    %dma_wait3A_222 = tpu.memref_slice %arg10[%dma_wait3A_217, %dma_wait3A_221] : memref<4x128xi32, #tpu.memory_space<vmem>> -> memref<1x128xi32, #tpu.memory_space<vmem>>
    %dma_wait3A_223 = tpu.memref_squeeze %dma_wait3A_222 : memref<1x128xi32, #tpu.memory_space<vmem>> -> memref<128xi32, #tpu.memory_space<vmem>>
    %dma_wait3A_224 = arith.constant 0 : i32
    %dma_wait3A_225 = arith.constant 0 : i32
    %dma_wait3A_226 = tpu.memref_slice %arg4[%dma_wait3A_224, %dma_wait3A_225] : memref<1000000x16xf32, #tpu.memory_space<hbm>> -> memref<1000000x16xf32, #tpu.memory_space<hbm>>
    tpu.wait_indirect_dma semaphore(%arg18 : memref<!tpu.dma_semaphore, #tpu.memory_space<semaphore_mem>>) src(%dma_wait3A_226 : memref<1000000x16xf32, #tpu.memory_space<hbm>>) dst(%dma_wait3A_220 : memref<128x16xf32, #tpu.memory_space<vmem>>)
    %dma_wait3A_227 = arith.constant 2 : i32
    %dma_wait3A_228 = arith.constant 256 : i32
    %dma_wait3A_229 = arith.constant 0 : i32
    %dma_wait3A_230 = tpu.memref_slice %arg13[%dma_wait3A_228, %dma_wait3A_229] : memref<512x16xf32, #tpu.memory_space<vmem>> -> memref<128x16xf32, #tpu.memory_space<vmem>>
    %dma_wait3A_231 = arith.constant 0 : i32
    %dma_wait3A_232 = tpu.memref_slice %arg11[%dma_wait3A_227, %dma_wait3A_231] : memref<4x128xi32, #tpu.memory_space<vmem>> -> memref<1x128xi32, #tpu.memory_space<vmem>>
    %dma_wait3A_233 = tpu.memref_squeeze %dma_wait3A_232 : memref<1x128xi32, #tpu.memory_space<vmem>> -> memref<128xi32, #tpu.memory_space<vmem>>
    %dma_wait3A_234 = arith.constant 0 : i32
    %dma_wait3A_235 = arith.constant 0 : i32
    %dma_wait3A_236 = tpu.memref_slice %arg5[%dma_wait3A_234, %dma_wait3A_235] : memref<1000000x16xf32, #tpu.memory_space<hbm>> -> memref<1000000x16xf32, #tpu.memory_space<hbm>>
    tpu.wait_indirect_dma semaphore(%arg18 : memref<!tpu.dma_semaphore, #tpu.memory_space<semaphore_mem>>) src(%dma_wait3A_236 : memref<1000000x16xf32, #tpu.memory_space<hbm>>) dst(%dma_wait3A_230 : memref<128x16xf32, #tpu.memory_space<vmem>>)
    %dma_wait3A_237 = arith.constant 2 : i32
    %dma_wait3A_238 = arith.constant 256 : i32
    %dma_wait3A_239 = tpu.memref_slice %arg14[%dma_wait3A_238] : memref<512xf32, #tpu.memory_space<vmem>> -> memref<128xf32, #tpu.memory_space<vmem>>
    %dma_wait3A_240 = arith.constant 0 : i32
    %dma_wait3A_241 = tpu.memref_slice %arg10[%dma_wait3A_237, %dma_wait3A_240] : memref<4x128xi32, #tpu.memory_space<vmem>> -> memref<1x128xi32, #tpu.memory_space<vmem>>
    %dma_wait3A_242 = tpu.memref_squeeze %dma_wait3A_241 : memref<1x128xi32, #tpu.memory_space<vmem>> -> memref<128xi32, #tpu.memory_space<vmem>>
    %dma_wait3A_243 = arith.constant 0 : i32
    %dma_wait3A_244 = tpu.memref_slice %arg6[%dma_wait3A_243] : memref<1000000xf32, #tpu.memory_space<hbm>> -> memref<1000000xf32, #tpu.memory_space<hbm>>
    tpu.wait_indirect_dma semaphore(%arg18 : memref<!tpu.dma_semaphore, #tpu.memory_space<semaphore_mem>>) src(%dma_wait3A_244 : memref<1000000xf32, #tpu.memory_space<hbm>>) dst(%dma_wait3A_239 : memref<128xf32, #tpu.memory_space<vmem>>)
    %dma_wait3A_245 = arith.constant 2 : i32
    %dma_wait3A_246 = arith.constant 256 : i32
    %dma_wait3A_247 = tpu.memref_slice %arg15[%dma_wait3A_246] : memref<512xf32, #tpu.memory_space<vmem>> -> memref<128xf32, #tpu.memory_space<vmem>>
    %dma_wait3A_248 = arith.constant 0 : i32
    %dma_wait3A_249 = tpu.memref_slice %arg11[%dma_wait3A_245, %dma_wait3A_248] : memref<4x128xi32, #tpu.memory_space<vmem>> -> memref<1x128xi32, #tpu.memory_space<vmem>>
    %dma_wait3A_250 = tpu.memref_squeeze %dma_wait3A_249 : memref<1x128xi32, #tpu.memory_space<vmem>> -> memref<128xi32, #tpu.memory_space<vmem>>
    %dma_wait3A_251 = arith.constant 0 : i32
    %dma_wait3A_252 = tpu.memref_slice %arg7[%dma_wait3A_251] : memref<1000000xf32, #tpu.memory_space<hbm>> -> memref<1000000xf32, #tpu.memory_space<hbm>>
    tpu.wait_indirect_dma semaphore(%arg18 : memref<!tpu.dma_semaphore, #tpu.memory_space<semaphore_mem>>) src(%dma_wait3A_252 : memref<1000000xf32, #tpu.memory_space<hbm>>) dst(%dma_wait3A_247 : memref<128xf32, #tpu.memory_space<vmem>>)
    %dma_wait3A_253 = arith.constant 3 : i32
    %dma_wait3A_254 = arith.constant 384 : i32
    %dma_wait3A_255 = arith.constant 0 : i32
    %dma_wait3A_256 = tpu.memref_slice %arg12[%dma_wait3A_254, %dma_wait3A_255] : memref<512x16xf32, #tpu.memory_space<vmem>> -> memref<128x16xf32, #tpu.memory_space<vmem>>
    %dma_wait3A_257 = arith.constant 0 : i32
    %dma_wait3A_258 = tpu.memref_slice %arg10[%dma_wait3A_253, %dma_wait3A_257] : memref<4x128xi32, #tpu.memory_space<vmem>> -> memref<1x128xi32, #tpu.memory_space<vmem>>
    %dma_wait3A_259 = tpu.memref_squeeze %dma_wait3A_258 : memref<1x128xi32, #tpu.memory_space<vmem>> -> memref<128xi32, #tpu.memory_space<vmem>>
    %dma_wait3A_260 = arith.constant 0 : i32
    %dma_wait3A_261 = arith.constant 0 : i32
    %dma_wait3A_262 = tpu.memref_slice %arg4[%dma_wait3A_260, %dma_wait3A_261] : memref<1000000x16xf32, #tpu.memory_space<hbm>> -> memref<1000000x16xf32, #tpu.memory_space<hbm>>
    tpu.wait_indirect_dma semaphore(%arg18 : memref<!tpu.dma_semaphore, #tpu.memory_space<semaphore_mem>>) src(%dma_wait3A_262 : memref<1000000x16xf32, #tpu.memory_space<hbm>>) dst(%dma_wait3A_256 : memref<128x16xf32, #tpu.memory_space<vmem>>)
    %dma_wait3A_263 = arith.constant 3 : i32
    %dma_wait3A_264 = arith.constant 384 : i32
    %dma_wait3A_265 = arith.constant 0 : i32
    %dma_wait3A_266 = tpu.memref_slice %arg13[%dma_wait3A_264, %dma_wait3A_265] : memref<512x16xf32, #tpu.memory_space<vmem>> -> memref<128x16xf32, #tpu.memory_space<vmem>>
    %dma_wait3A_267 = arith.constant 0 : i32
    %dma_wait3A_268 = tpu.memref_slice %arg11[%dma_wait3A_263, %dma_wait3A_267] : memref<4x128xi32, #tpu.memory_space<vmem>> -> memref<1x128xi32, #tpu.memory_space<vmem>>
    %dma_wait3A_269 = tpu.memref_squeeze %dma_wait3A_268 : memref<1x128xi32, #tpu.memory_space<vmem>> -> memref<128xi32, #tpu.memory_space<vmem>>
    %dma_wait3A_270 = arith.constant 0 : i32
    %dma_wait3A_271 = arith.constant 0 : i32
    %dma_wait3A_272 = tpu.memref_slice %arg5[%dma_wait3A_270, %dma_wait3A_271] : memref<1000000x16xf32, #tpu.memory_space<hbm>> -> memref<1000000x16xf32, #tpu.memory_space<hbm>>
    tpu.wait_indirect_dma semaphore(%arg18 : memref<!tpu.dma_semaphore, #tpu.memory_space<semaphore_mem>>) src(%dma_wait3A_272 : memref<1000000x16xf32, #tpu.memory_space<hbm>>) dst(%dma_wait3A_266 : memref<128x16xf32, #tpu.memory_space<vmem>>)
    %dma_wait3A_273 = arith.constant 3 : i32
    %dma_wait3A_274 = arith.constant 384 : i32
    %dma_wait3A_275 = tpu.memref_slice %arg14[%dma_wait3A_274] : memref<512xf32, #tpu.memory_space<vmem>> -> memref<128xf32, #tpu.memory_space<vmem>>
    %dma_wait3A_276 = arith.constant 0 : i32
    %dma_wait3A_277 = tpu.memref_slice %arg10[%dma_wait3A_273, %dma_wait3A_276] : memref<4x128xi32, #tpu.memory_space<vmem>> -> memref<1x128xi32, #tpu.memory_space<vmem>>
    %dma_wait3A_278 = tpu.memref_squeeze %dma_wait3A_277 : memref<1x128xi32, #tpu.memory_space<vmem>> -> memref<128xi32, #tpu.memory_space<vmem>>
    %dma_wait3A_279 = arith.constant 0 : i32
    %dma_wait3A_280 = tpu.memref_slice %arg6[%dma_wait3A_279] : memref<1000000xf32, #tpu.memory_space<hbm>> -> memref<1000000xf32, #tpu.memory_space<hbm>>
    tpu.wait_indirect_dma semaphore(%arg18 : memref<!tpu.dma_semaphore, #tpu.memory_space<semaphore_mem>>) src(%dma_wait3A_280 : memref<1000000xf32, #tpu.memory_space<hbm>>) dst(%dma_wait3A_275 : memref<128xf32, #tpu.memory_space<vmem>>)
    %dma_wait3A_281 = arith.constant 3 : i32
    %dma_wait3A_282 = arith.constant 384 : i32
    %dma_wait3A_283 = tpu.memref_slice %arg15[%dma_wait3A_282] : memref<512xf32, #tpu.memory_space<vmem>> -> memref<128xf32, #tpu.memory_space<vmem>>
    %dma_wait3A_284 = arith.constant 0 : i32
    %dma_wait3A_285 = tpu.memref_slice %arg11[%dma_wait3A_281, %dma_wait3A_284] : memref<4x128xi32, #tpu.memory_space<vmem>> -> memref<1x128xi32, #tpu.memory_space<vmem>>
    %dma_wait3A_286 = tpu.memref_squeeze %dma_wait3A_285 : memref<1x128xi32, #tpu.memory_space<vmem>> -> memref<128xi32, #tpu.memory_space<vmem>>
    %dma_wait3A_287 = arith.constant 0 : i32
    %dma_wait3A_288 = tpu.memref_slice %arg7[%dma_wait3A_287] : memref<1000000xf32, #tpu.memory_space<hbm>> -> memref<1000000xf32, #tpu.memory_space<hbm>>
    tpu.wait_indirect_dma semaphore(%arg18 : memref<!tpu.dma_semaphore, #tpu.memory_space<semaphore_mem>>) src(%dma_wait3A_288 : memref<1000000xf32, #tpu.memory_space<hbm>>) dst(%dma_wait3A_283 : memref<128xf32, #tpu.memory_space<vmem>>)
    %iota3A = tpu.iota {dimensions = array<i32: 0>} : vector<16xi32>
    %get3A = arith.constant 0 : index
    %get3A_289 = tpu.vector_load %arg17[%get3A] {strides = array<i32>} : memref<16xf32, #tpu.memory_space<vmem>>, vector<16xf32>,
    %scan3A = arith.constant 0 : i32
    %scan3A_290 = arith.constant 0 : i32
    %scan3A_291 = arith.constant 32 : i32
    %scan3A_292 = arith.addi %scan3A_290, %scan3A_291 : i32
    %scan3A_293 = arith.constant 1 : i32
    scf.for %scan3A_295 = %scan3A_290 to %scan3A_292 step %scan3A_293  : i32 {
      %mul3A_296 = arith.constant 16 : i32
      %mul3A_297 = arith.muli %scan3A_295, %mul3A_296 : i32
      %get3A_298 = arith.index_cast %mul3A_297 : i32 to index
      %get3A_299 = tpu.vector_load %arg14[%get3A_298] {strides = array<i32>} : memref<512xf32, #tpu.memory_space<vmem>>, vector<16xf32>,
      %get3A_300 = arith.index_cast %mul3A_297 : i32 to index
      %get3A_301 = tpu.vector_load %arg15[%get3A_300] {strides = array<i32>} : memref<512xf32, #tpu.memory_space<vmem>>, vector<16xf32>,
      %add3A_302 = arith.addf %get3A_299, %get3A_301 : vector<16xf32>
      %add3A_303 = arith.addf %add3A_302, %get3A_289 : vector<16xf32>
      %add3A_304 = arith.constant 0 : i32
      %add3A_305 = arith.addi %mul3A_297, %add3A_304 : i32
      %get3A_306 = arith.index_cast %add3A_305 : i32 to index
      %get3A_307 = arith.constant 0 : index
      %get3A_308 = tpu.vector_load %arg12[%get3A_306, %get3A_307] {strides = array<i32>} : memref<512x16xf32, #tpu.memory_space<vmem>>, vector<16xf32>,
      %add3A_309 = arith.constant 0 : i32
      %add3A_310 = arith.addi %mul3A_297, %add3A_309 : i32
      %get3A_311 = arith.index_cast %add3A_310 : i32 to index
      %get3A_312 = arith.constant 0 : index
      %get3A_313 = tpu.vector_load %arg13[%get3A_311, %get3A_312] {strides = array<i32>} : memref<512x16xf32, #tpu.memory_space<vmem>>, vector<16xf32>,
      %mul3A_314 = arith.mulf %get3A_308, %get3A_313 : vector<16xf32>
      %reduce_sum3A = arith.constant true
      %reduce_sum3A_315 = vector.broadcast %reduce_sum3A : i1 to vector<16xi1>
      %reduce_sum3A_316 = tpu.scan <sum>, %mul3A_314 masked %reduce_sum3A_315 : vector<16xf32>, vector<16xi1> -> vector<16xf32>
      %reduce_sum3A_317 = vector.extract %reduce_sum3A_316[15] : f32 from vector<16xf32>
      %eq3A = arith.constant 0 : i32
      %eq3A_318 = vector.broadcast %eq3A : i32 to vector<16xi32>
      %eq3A_319 = arith.cmpi eq, %iota3A, %eq3A_318 : vector<16xi32>
      %add3A_320 = vector.broadcast %reduce_sum3A_317 : f32 to vector<16xf32>
      %add3A_321 = arith.addf %add3A_303, %add3A_320 : vector<16xf32>
      %select_n3A = arith.select %eq3A_319, %add3A_321, %add3A_303 : vector<16xi1>, vector<16xf32>
      %add3A_322 = arith.constant 1 : i32
      %add3A_323 = arith.addi %mul3A_297, %add3A_322 : i32
      %get3A_324 = arith.index_cast %add3A_323 : i32 to index
      %get3A_325 = arith.constant 0 : index
      %get3A_326 = tpu.vector_load %arg12[%get3A_324, %get3A_325] {strides = array<i32>} : memref<512x16xf32, #tpu.memory_space<vmem>>, vector<16xf32>,
      %add3A_327 = arith.constant 1 : i32
      %add3A_328 = arith.addi %mul3A_297, %add3A_327 : i32
      %get3A_329 = arith.index_cast %add3A_328 : i32 to index
      %get3A_330 = arith.constant 0 : index
      %get3A_331 = tpu.vector_load %arg13[%get3A_329, %get3A_330] {strides = array<i32>} : memref<512x16xf32, #tpu.memory_space<vmem>>, vector<16xf32>,
      %mul3A_332 = arith.mulf %get3A_326, %get3A_331 : vector<16xf32>
      %reduce_sum3A_333 = arith.constant true
      %reduce_sum3A_334 = vector.broadcast %reduce_sum3A_333 : i1 to vector<16xi1>
      %reduce_sum3A_335 = tpu.scan <sum>, %mul3A_332 masked %reduce_sum3A_334 : vector<16xf32>, vector<16xi1> -> vector<16xf32>
      %reduce_sum3A_336 = vector.extract %reduce_sum3A_335[15] : f32 from vector<16xf32>
      %eq3A_337 = arith.constant 1 : i32
      %eq3A_338 = vector.broadcast %eq3A_337 : i32 to vector<16xi32>
      %eq3A_339 = arith.cmpi eq, %iota3A, %eq3A_338 : vector<16xi32>
      %add3A_340 = vector.broadcast %reduce_sum3A_336 : f32 to vector<16xf32>
      %add3A_341 = arith.addf %select_n3A, %add3A_340 : vector<16xf32>
      %select_n3A_342 = arith.select %eq3A_339, %add3A_341, %select_n3A : vector<16xi1>, vector<16xf32>
      %add3A_343 = arith.constant 2 : i32
      %add3A_344 = arith.addi %mul3A_297, %add3A_343 : i32
      %get3A_345 = arith.index_cast %add3A_344 : i32 to index
      %get3A_346 = arith.constant 0 : index
      %get3A_347 = tpu.vector_load %arg12[%get3A_345, %get3A_346] {strides = array<i32>} : memref<512x16xf32, #tpu.memory_space<vmem>>, vector<16xf32>,
      %add3A_348 = arith.constant 2 : i32
      %add3A_349 = arith.addi %mul3A_297, %add3A_348 : i32
      %get3A_350 = arith.index_cast %add3A_349 : i32 to index
      %get3A_351 = arith.constant 0 : index
      %get3A_352 = tpu.vector_load %arg13[%get3A_350, %get3A_351] {strides = array<i32>} : memref<512x16xf32, #tpu.memory_space<vmem>>, vector<16xf32>,
      %mul3A_353 = arith.mulf %get3A_347, %get3A_352 : vector<16xf32>
      %reduce_sum3A_354 = arith.constant true
      %reduce_sum3A_355 = vector.broadcast %reduce_sum3A_354 : i1 to vector<16xi1>
      %reduce_sum3A_356 = tpu.scan <sum>, %mul3A_353 masked %reduce_sum3A_355 : vector<16xf32>, vector<16xi1> -> vector<16xf32>
      %reduce_sum3A_357 = vector.extract %reduce_sum3A_356[15] : f32 from vector<16xf32>
      %eq3A_358 = arith.constant 2 : i32
      %eq3A_359 = vector.broadcast %eq3A_358 : i32 to vector<16xi32>
      %eq3A_360 = arith.cmpi eq, %iota3A, %eq3A_359 : vector<16xi32>
      %add3A_361 = vector.broadcast %reduce_sum3A_357 : f32 to vector<16xf32>
      %add3A_362 = arith.addf %select_n3A_342, %add3A_361 : vector<16xf32>
      %select_n3A_363 = arith.select %eq3A_360, %add3A_362, %select_n3A_342 : vector<16xi1>, vector<16xf32>
      %add3A_364 = arith.constant 3 : i32
      %add3A_365 = arith.addi %mul3A_297, %add3A_364 : i32
      %get3A_366 = arith.index_cast %add3A_365 : i32 to index
      %get3A_367 = arith.constant 0 : index
      %get3A_368 = tpu.vector_load %arg12[%get3A_366, %get3A_367] {strides = array<i32>} : memref<512x16xf32, #tpu.memory_space<vmem>>, vector<16xf32>,
      %add3A_369 = arith.constant 3 : i32
      %add3A_370 = arith.addi %mul3A_297, %add3A_369 : i32
      %get3A_371 = arith.index_cast %add3A_370 : i32 to index
      %get3A_372 = arith.constant 0 : index
      %get3A_373 = tpu.vector_load %arg13[%get3A_371, %get3A_372] {strides = array<i32>} : memref<512x16xf32, #tpu.memory_space<vmem>>, vector<16xf32>,
      %mul3A_374 = arith.mulf %get3A_368, %get3A_373 : vector<16xf32>
      %reduce_sum3A_375 = arith.constant true
      %reduce_sum3A_376 = vector.broadcast %reduce_sum3A_375 : i1 to vector<16xi1>
      %reduce_sum3A_377 = tpu.scan <sum>, %mul3A_374 masked %reduce_sum3A_376 : vector<16xf32>, vector<16xi1> -> vector<16xf32>
      %reduce_sum3A_378 = vector.extract %reduce_sum3A_377[15] : f32 from vector<16xf32>
      %eq3A_379 = arith.constant 3 : i32
      %eq3A_380 = vector.broadcast %eq3A_379 : i32 to vector<16xi32>
      %eq3A_381 = arith.cmpi eq, %iota3A, %eq3A_380 : vector<16xi32>
      %add3A_382 = vector.broadcast %reduce_sum3A_378 : f32 to vector<16xf32>
      %add3A_383 = arith.addf %select_n3A_363, %add3A_382 : vector<16xf32>
      %select_n3A_384 = arith.select %eq3A_381, %add3A_383, %select_n3A_363 : vector<16xi1>, vector<16xf32>
      %add3A_385 = arith.constant 4 : i32
      %add3A_386 = arith.addi %mul3A_297, %add3A_385 : i32
      %get3A_387 = arith.index_cast %add3A_386 : i32 to index
      %get3A_388 = arith.constant 0 : index
      %get3A_389 = tpu.vector_load %arg12[%get3A_387, %get3A_388] {strides = array<i32>} : memref<512x16xf32, #tpu.memory_space<vmem>>, vector<16xf32>,
      %add3A_390 = arith.constant 4 : i32
      %add3A_391 = arith.addi %mul3A_297, %add3A_390 : i32
      %get3A_392 = arith.index_cast %add3A_391 : i32 to index
      %get3A_393 = arith.constant 0 : index
      %get3A_394 = tpu.vector_load %arg13[%get3A_392, %get3A_393] {strides = array<i32>} : memref<512x16xf32, #tpu.memory_space<vmem>>, vector<16xf32>,
      %mul3A_395 = arith.mulf %get3A_389, %get3A_394 : vector<16xf32>
      %reduce_sum3A_396 = arith.constant true
      %reduce_sum3A_397 = vector.broadcast %reduce_sum3A_396 : i1 to vector<16xi1>
      %reduce_sum3A_398 = tpu.scan <sum>, %mul3A_395 masked %reduce_sum3A_397 : vector<16xf32>, vector<16xi1> -> vector<16xf32>
      %reduce_sum3A_399 = vector.extract %reduce_sum3A_398[15] : f32 from vector<16xf32>
      %eq3A_400 = arith.constant 4 : i32
      %eq3A_401 = vector.broadcast %eq3A_400 : i32 to vector<16xi32>
      %eq3A_402 = arith.cmpi eq, %iota3A, %eq3A_401 : vector<16xi32>
      %add3A_403 = vector.broadcast %reduce_sum3A_399 : f32 to vector<16xf32>
      %add3A_404 = arith.addf %select_n3A_384, %add3A_403 : vector<16xf32>
      %select_n3A_405 = arith.select %eq3A_402, %add3A_404, %select_n3A_384 : vector<16xi1>, vector<16xf32>
      %add3A_406 = arith.constant 5 : i32
      %add3A_407 = arith.addi %mul3A_297, %add3A_406 : i32
      %get3A_408 = arith.index_cast %add3A_407 : i32 to index
      %get3A_409 = arith.constant 0 : index
      %get3A_410 = tpu.vector_load %arg12[%get3A_408, %get3A_409] {strides = array<i32>} : memref<512x16xf32, #tpu.memory_space<vmem>>, vector<16xf32>,
      %add3A_411 = arith.constant 5 : i32
      %add3A_412 = arith.addi %mul3A_297, %add3A_411 : i32
      %get3A_413 = arith.index_cast %add3A_412 : i32 to index
      %get3A_414 = arith.constant 0 : index
      %get3A_415 = tpu.vector_load %arg13[%get3A_413, %get3A_414] {strides = array<i32>} : memref<512x16xf32, #tpu.memory_space<vmem>>, vector<16xf32>,
      %mul3A_416 = arith.mulf %get3A_410, %get3A_415 : vector<16xf32>
      %reduce_sum3A_417 = arith.constant true
      %reduce_sum3A_418 = vector.broadcast %reduce_sum3A_417 : i1 to vector<16xi1>
      %reduce_sum3A_419 = tpu.scan <sum>, %mul3A_416 masked %reduce_sum3A_418 : vector<16xf32>, vector<16xi1> -> vector<16xf32>
      %reduce_sum3A_420 = vector.extract %reduce_sum3A_419[15] : f32 from vector<16xf32>
      %eq3A_421 = arith.constant 5 : i32
      %eq3A_422 = vector.broadcast %eq3A_421 : i32 to vector<16xi32>
      %eq3A_423 = arith.cmpi eq, %iota3A, %eq3A_422 : vector<16xi32>
      %add3A_424 = vector.broadcast %reduce_sum3A_420 : f32 to vector<16xf32>
      %add3A_425 = arith.addf %select_n3A_405, %add3A_424 : vector<16xf32>
      %select_n3A_426 = arith.select %eq3A_423, %add3A_425, %select_n3A_405 : vector<16xi1>, vector<16xf32>
      %add3A_427 = arith.constant 6 : i32
      %add3A_428 = arith.addi %mul3A_297, %add3A_427 : i32
      %get3A_429 = arith.index_cast %add3A_428 : i32 to index
      %get3A_430 = arith.constant 0 : index
      %get3A_431 = tpu.vector_load %arg12[%get3A_429, %get3A_430] {strides = array<i32>} : memref<512x16xf32, #tpu.memory_space<vmem>>, vector<16xf32>,
      %add3A_432 = arith.constant 6 : i32
      %add3A_433 = arith.addi %mul3A_297, %add3A_432 : i32
      %get3A_434 = arith.index_cast %add3A_433 : i32 to index
      %get3A_435 = arith.constant 0 : index
      %get3A_436 = tpu.vector_load %arg13[%get3A_434, %get3A_435] {strides = array<i32>} : memref<512x16xf32, #tpu.memory_space<vmem>>, vector<16xf32>,
      %mul3A_437 = arith.mulf %get3A_431, %get3A_436 : vector<16xf32>
      %reduce_sum3A_438 = arith.constant true
      %reduce_sum3A_439 = vector.broadcast %reduce_sum3A_438 : i1 to vector<16xi1>
      %reduce_sum3A_440 = tpu.scan <sum>, %mul3A_437 masked %reduce_sum3A_439 : vector<16xf32>, vector<16xi1> -> vector<16xf32>
      %reduce_sum3A_441 = vector.extract %reduce_sum3A_440[15] : f32 from vector<16xf32>
      %eq3A_442 = arith.constant 6 : i32
      %eq3A_443 = vector.broadcast %eq3A_442 : i32 to vector<16xi32>
      %eq3A_444 = arith.cmpi eq, %iota3A, %eq3A_443 : vector<16xi32>
      %add3A_445 = vector.broadcast %reduce_sum3A_441 : f32 to vector<16xf32>
      %add3A_446 = arith.addf %select_n3A_426, %add3A_445 : vector<16xf32>
      %select_n3A_447 = arith.select %eq3A_444, %add3A_446, %select_n3A_426 : vector<16xi1>, vector<16xf32>
      %add3A_448 = arith.constant 7 : i32
      %add3A_449 = arith.addi %mul3A_297, %add3A_448 : i32
      %get3A_450 = arith.index_cast %add3A_449 : i32 to index
      %get3A_451 = arith.constant 0 : index
      %get3A_452 = tpu.vector_load %arg12[%get3A_450, %get3A_451] {strides = array<i32>} : memref<512x16xf32, #tpu.memory_space<vmem>>, vector<16xf32>,
      %add3A_453 = arith.constant 7 : i32
      %add3A_454 = arith.addi %mul3A_297, %add3A_453 : i32
      %get3A_455 = arith.index_cast %add3A_454 : i32 to index
      %get3A_456 = arith.constant 0 : index
      %get3A_457 = tpu.vector_load %arg13[%get3A_455, %get3A_456] {strides = array<i32>} : memref<512x16xf32, #tpu.memory_space<vmem>>, vector<16xf32>,
      %mul3A_458 = arith.mulf %get3A_452, %get3A_457 : vector<16xf32>
      %reduce_sum3A_459 = arith.constant true
      %reduce_sum3A_460 = vector.broadcast %reduce_sum3A_459 : i1 to vector<16xi1>
      %reduce_sum3A_461 = tpu.scan <sum>, %mul3A_458 masked %reduce_sum3A_460 : vector<16xf32>, vector<16xi1> -> vector<16xf32>
      %reduce_sum3A_462 = vector.extract %reduce_sum3A_461[15] : f32 from vector<16xf32>
      %eq3A_463 = arith.constant 7 : i32
      %eq3A_464 = vector.broadcast %eq3A_463 : i32 to vector<16xi32>
      %eq3A_465 = arith.cmpi eq, %iota3A, %eq3A_464 : vector<16xi32>
      %add3A_466 = vector.broadcast %reduce_sum3A_462 : f32 to vector<16xf32>
      %add3A_467 = arith.addf %select_n3A_447, %add3A_466 : vector<16xf32>
      %select_n3A_468 = arith.select %eq3A_465, %add3A_467, %select_n3A_447 : vector<16xi1>, vector<16xf32>
      %add3A_469 = arith.constant 8 : i32
      %add3A_470 = arith.addi %mul3A_297, %add3A_469 : i32
      %get3A_471 = arith.index_cast %add3A_470 : i32 to index
      %get3A_472 = arith.constant 0 : index
      %get3A_473 = tpu.vector_load %arg12[%get3A_471, %get3A_472] {strides = array<i32>} : memref<512x16xf32, #tpu.memory_space<vmem>>, vector<16xf32>,
      %add3A_474 = arith.constant 8 : i32
      %add3A_475 = arith.addi %mul3A_297, %add3A_474 : i32
      %get3A_476 = arith.index_cast %add3A_475 : i32 to index
      %get3A_477 = arith.constant 0 : index
      %get3A_478 = tpu.vector_load %arg13[%get3A_476, %get3A_477] {strides = array<i32>} : memref<512x16xf32, #tpu.memory_space<vmem>>, vector<16xf32>,
      %mul3A_479 = arith.mulf %get3A_473, %get3A_478 : vector<16xf32>
      %reduce_sum3A_480 = arith.constant true
      %reduce_sum3A_481 = vector.broadcast %reduce_sum3A_480 : i1 to vector<16xi1>
      %reduce_sum3A_482 = tpu.scan <sum>, %mul3A_479 masked %reduce_sum3A_481 : vector<16xf32>, vector<16xi1> -> vector<16xf32>
      %reduce_sum3A_483 = vector.extract %reduce_sum3A_482[15] : f32 from vector<16xf32>
      %eq3A_484 = arith.constant 8 : i32
      %eq3A_485 = vector.broadcast %eq3A_484 : i32 to vector<16xi32>
      %eq3A_486 = arith.cmpi eq, %iota3A, %eq3A_485 : vector<16xi32>
      %add3A_487 = vector.broadcast %reduce_sum3A_483 : f32 to vector<16xf32>
      %add3A_488 = arith.addf %select_n3A_468, %add3A_487 : vector<16xf32>
      %select_n3A_489 = arith.select %eq3A_486, %add3A_488, %select_n3A_468 : vector<16xi1>, vector<16xf32>
      %add3A_490 = arith.constant 9 : i32
      %add3A_491 = arith.addi %mul3A_297, %add3A_490 : i32
      %get3A_492 = arith.index_cast %add3A_491 : i32 to index
      %get3A_493 = arith.constant 0 : index
      %get3A_494 = tpu.vector_load %arg12[%get3A_492, %get3A_493] {strides = array<i32>} : memref<512x16xf32, #tpu.memory_space<vmem>>, vector<16xf32>,
      %add3A_495 = arith.constant 9 : i32
      %add3A_496 = arith.addi %mul3A_297, %add3A_495 : i32
      %get3A_497 = arith.index_cast %add3A_496 : i32 to index
      %get3A_498 = arith.constant 0 : index
      %get3A_499 = tpu.vector_load %arg13[%get3A_497, %get3A_498] {strides = array<i32>} : memref<512x16xf32, #tpu.memory_space<vmem>>, vector<16xf32>,
      %mul3A_500 = arith.mulf %get3A_494, %get3A_499 : vector<16xf32>
      %reduce_sum3A_501 = arith.constant true
      %reduce_sum3A_502 = vector.broadcast %reduce_sum3A_501 : i1 to vector<16xi1>
      %reduce_sum3A_503 = tpu.scan <sum>, %mul3A_500 masked %reduce_sum3A_502 : vector<16xf32>, vector<16xi1> -> vector<16xf32>
      %reduce_sum3A_504 = vector.extract %reduce_sum3A_503[15] : f32 from vector<16xf32>
      %eq3A_505 = arith.constant 9 : i32
      %eq3A_506 = vector.broadcast %eq3A_505 : i32 to vector<16xi32>
      %eq3A_507 = arith.cmpi eq, %iota3A, %eq3A_506 : vector<16xi32>
      %add3A_508 = vector.broadcast %reduce_sum3A_504 : f32 to vector<16xf32>
      %add3A_509 = arith.addf %select_n3A_489, %add3A_508 : vector<16xf32>
      %select_n3A_510 = arith.select %eq3A_507, %add3A_509, %select_n3A_489 : vector<16xi1>, vector<16xf32>
      %add3A_511 = arith.constant 10 : i32
      %add3A_512 = arith.addi %mul3A_297, %add3A_511 : i32
      %get3A_513 = arith.index_cast %add3A_512 : i32 to index
      %get3A_514 = arith.constant 0 : index
      %get3A_515 = tpu.vector_load %arg12[%get3A_513, %get3A_514] {strides = array<i32>} : memref<512x16xf32, #tpu.memory_space<vmem>>, vector<16xf32>,
      %add3A_516 = arith.constant 10 : i32
      %add3A_517 = arith.addi %mul3A_297, %add3A_516 : i32
      %get3A_518 = arith.index_cast %add3A_517 : i32 to index
      %get3A_519 = arith.constant 0 : index
      %get3A_520 = tpu.vector_load %arg13[%get3A_518, %get3A_519] {strides = array<i32>} : memref<512x16xf32, #tpu.memory_space<vmem>>, vector<16xf32>,
      %mul3A_521 = arith.mulf %get3A_515, %get3A_520 : vector<16xf32>
      %reduce_sum3A_522 = arith.constant true
      %reduce_sum3A_523 = vector.broadcast %reduce_sum3A_522 : i1 to vector<16xi1>
      %reduce_sum3A_524 = tpu.scan <sum>, %mul3A_521 masked %reduce_sum3A_523 : vector<16xf32>, vector<16xi1> -> vector<16xf32>
      %reduce_sum3A_525 = vector.extract %reduce_sum3A_524[15] : f32 from vector<16xf32>
      %eq3A_526 = arith.constant 10 : i32
      %eq3A_527 = vector.broadcast %eq3A_526 : i32 to vector<16xi32>
      %eq3A_528 = arith.cmpi eq, %iota3A, %eq3A_527 : vector<16xi32>
      %add3A_529 = vector.broadcast %reduce_sum3A_525 : f32 to vector<16xf32>
      %add3A_530 = arith.addf %select_n3A_510, %add3A_529 : vector<16xf32>
      %select_n3A_531 = arith.select %eq3A_528, %add3A_530, %select_n3A_510 : vector<16xi1>, vector<16xf32>
      %add3A_532 = arith.constant 11 : i32
      %add3A_533 = arith.addi %mul3A_297, %add3A_532 : i32
      %get3A_534 = arith.index_cast %add3A_533 : i32 to index
      %get3A_535 = arith.constant 0 : index
      %get3A_536 = tpu.vector_load %arg12[%get3A_534, %get3A_535] {strides = array<i32>} : memref<512x16xf32, #tpu.memory_space<vmem>>, vector<16xf32>,
      %add3A_537 = arith.constant 11 : i32
      %add3A_538 = arith.addi %mul3A_297, %add3A_537 : i32
      %get3A_539 = arith.index_cast %add3A_538 : i32 to index
      %get3A_540 = arith.constant 0 : index
      %get3A_541 = tpu.vector_load %arg13[%get3A_539, %get3A_540] {strides = array<i32>} : memref<512x16xf32, #tpu.memory_space<vmem>>, vector<16xf32>,
      %mul3A_542 = arith.mulf %get3A_536, %get3A_541 : vector<16xf32>
      %reduce_sum3A_543 = arith.constant true
      %reduce_sum3A_544 = vector.broadcast %reduce_sum3A_543 : i1 to vector<16xi1>
      %reduce_sum3A_545 = tpu.scan <sum>, %mul3A_542 masked %reduce_sum3A_544 : vector<16xf32>, vector<16xi1> -> vector<16xf32>
      %reduce_sum3A_546 = vector.extract %reduce_sum3A_545[15] : f32 from vector<16xf32>
      %eq3A_547 = arith.constant 11 : i32
      %eq3A_548 = vector.broadcast %eq3A_547 : i32 to vector<16xi32>
      %eq3A_549 = arith.cmpi eq, %iota3A, %eq3A_548 : vector<16xi32>
      %add3A_550 = vector.broadcast %reduce_sum3A_546 : f32 to vector<16xf32>
      %add3A_551 = arith.addf %select_n3A_531, %add3A_550 : vector<16xf32>
      %select_n3A_552 = arith.select %eq3A_549, %add3A_551, %select_n3A_531 : vector<16xi1>, vector<16xf32>
      %add3A_553 = arith.constant 12 : i32
      %add3A_554 = arith.addi %mul3A_297, %add3A_553 : i32
      %get3A_555 = arith.index_cast %add3A_554 : i32 to index
      %get3A_556 = arith.constant 0 : index
      %get3A_557 = tpu.vector_load %arg12[%get3A_555, %get3A_556] {strides = array<i32>} : memref<512x16xf32, #tpu.memory_space<vmem>>, vector<16xf32>,
      %add3A_558 = arith.constant 12 : i32
      %add3A_559 = arith.addi %mul3A_297, %add3A_558 : i32
      %get3A_560 = arith.index_cast %add3A_559 : i32 to index
      %get3A_561 = arith.constant 0 : index
      %get3A_562 = tpu.vector_load %arg13[%get3A_560, %get3A_561] {strides = array<i32>} : memref<512x16xf32, #tpu.memory_space<vmem>>, vector<16xf32>,
      %mul3A_563 = arith.mulf %get3A_557, %get3A_562 : vector<16xf32>
      %reduce_sum3A_564 = arith.constant true
      %reduce_sum3A_565 = vector.broadcast %reduce_sum3A_564 : i1 to vector<16xi1>
      %reduce_sum3A_566 = tpu.scan <sum>, %mul3A_563 masked %reduce_sum3A_565 : vector<16xf32>, vector<16xi1> -> vector<16xf32>
      %reduce_sum3A_567 = vector.extract %reduce_sum3A_566[15] : f32 from vector<16xf32>
      %eq3A_568 = arith.constant 12 : i32
      %eq3A_569 = vector.broadcast %eq3A_568 : i32 to vector<16xi32>
      %eq3A_570 = arith.cmpi eq, %iota3A, %eq3A_569 : vector<16xi32>
      %add3A_571 = vector.broadcast %reduce_sum3A_567 : f32 to vector<16xf32>
      %add3A_572 = arith.addf %select_n3A_552, %add3A_571 : vector<16xf32>
      %select_n3A_573 = arith.select %eq3A_570, %add3A_572, %select_n3A_552 : vector<16xi1>, vector<16xf32>
      %add3A_574 = arith.constant 13 : i32
      %add3A_575 = arith.addi %mul3A_297, %add3A_574 : i32
      %get3A_576 = arith.index_cast %add3A_575 : i32 to index
      %get3A_577 = arith.constant 0 : index
      %get3A_578 = tpu.vector_load %arg12[%get3A_576, %get3A_577] {strides = array<i32>} : memref<512x16xf32, #tpu.memory_space<vmem>>, vector<16xf32>,
      %add3A_579 = arith.constant 13 : i32
      %add3A_580 = arith.addi %mul3A_297, %add3A_579 : i32
      %get3A_581 = arith.index_cast %add3A_580 : i32 to index
      %get3A_582 = arith.constant 0 : index
      %get3A_583 = tpu.vector_load %arg13[%get3A_581, %get3A_582] {strides = array<i32>} : memref<512x16xf32, #tpu.memory_space<vmem>>, vector<16xf32>,
      %mul3A_584 = arith.mulf %get3A_578, %get3A_583 : vector<16xf32>
      %reduce_sum3A_585 = arith.constant true
      %reduce_sum3A_586 = vector.broadcast %reduce_sum3A_585 : i1 to vector<16xi1>
      %reduce_sum3A_587 = tpu.scan <sum>, %mul3A_584 masked %reduce_sum3A_586 : vector<16xf32>, vector<16xi1> -> vector<16xf32>
      %reduce_sum3A_588 = vector.extract %reduce_sum3A_587[15] : f32 from vector<16xf32>
      %eq3A_589 = arith.constant 13 : i32
      %eq3A_590 = vector.broadcast %eq3A_589 : i32 to vector<16xi32>
      %eq3A_591 = arith.cmpi eq, %iota3A, %eq3A_590 : vector<16xi32>
      %add3A_592 = vector.broadcast %reduce_sum3A_588 : f32 to vector<16xf32>
      %add3A_593 = arith.addf %select_n3A_573, %add3A_592 : vector<16xf32>
      %select_n3A_594 = arith.select %eq3A_591, %add3A_593, %select_n3A_573 : vector<16xi1>, vector<16xf32>
      %add3A_595 = arith.constant 14 : i32
      %add3A_596 = arith.addi %mul3A_297, %add3A_595 : i32
      %get3A_597 = arith.index_cast %add3A_596 : i32 to index
      %get3A_598 = arith.constant 0 : index
      %get3A_599 = tpu.vector_load %arg12[%get3A_597, %get3A_598] {strides = array<i32>} : memref<512x16xf32, #tpu.memory_space<vmem>>, vector<16xf32>,
      %add3A_600 = arith.constant 14 : i32
      %add3A_601 = arith.addi %mul3A_297, %add3A_600 : i32
      %get3A_602 = arith.index_cast %add3A_601 : i32 to index
      %get3A_603 = arith.constant 0 : index
      %get3A_604 = tpu.vector_load %arg13[%get3A_602, %get3A_603] {strides = array<i32>} : memref<512x16xf32, #tpu.memory_space<vmem>>, vector<16xf32>,
      %mul3A_605 = arith.mulf %get3A_599, %get3A_604 : vector<16xf32>
      %reduce_sum3A_606 = arith.constant true
      %reduce_sum3A_607 = vector.broadcast %reduce_sum3A_606 : i1 to vector<16xi1>
      %reduce_sum3A_608 = tpu.scan <sum>, %mul3A_605 masked %reduce_sum3A_607 : vector<16xf32>, vector<16xi1> -> vector<16xf32>
      %reduce_sum3A_609 = vector.extract %reduce_sum3A_608[15] : f32 from vector<16xf32>
      %eq3A_610 = arith.constant 14 : i32
      %eq3A_611 = vector.broadcast %eq3A_610 : i32 to vector<16xi32>
      %eq3A_612 = arith.cmpi eq, %iota3A, %eq3A_611 : vector<16xi32>
      %add3A_613 = vector.broadcast %reduce_sum3A_609 : f32 to vector<16xf32>
      %add3A_614 = arith.addf %select_n3A_594, %add3A_613 : vector<16xf32>
      %select_n3A_615 = arith.select %eq3A_612, %add3A_614, %select_n3A_594 : vector<16xi1>, vector<16xf32>
      %add3A_616 = arith.constant 15 : i32
      %add3A_617 = arith.addi %mul3A_297, %add3A_616 : i32
      %get3A_618 = arith.index_cast %add3A_617 : i32 to index
      %get3A_619 = arith.constant 0 : index
      %get3A_620 = tpu.vector_load %arg12[%get3A_618, %get3A_619] {strides = array<i32>} : memref<512x16xf32, #tpu.memory_space<vmem>>, vector<16xf32>,
      %add3A_621 = arith.constant 15 : i32
      %add3A_622 = arith.addi %mul3A_297, %add3A_621 : i32
      %get3A_623 = arith.index_cast %add3A_622 : i32 to index
      %get3A_624 = arith.constant 0 : index
      %get3A_625 = tpu.vector_load %arg13[%get3A_623, %get3A_624] {strides = array<i32>} : memref<512x16xf32, #tpu.memory_space<vmem>>, vector<16xf32>,
      %mul3A_626 = arith.mulf %get3A_620, %get3A_625 : vector<16xf32>
      %reduce_sum3A_627 = arith.constant true
      %reduce_sum3A_628 = vector.broadcast %reduce_sum3A_627 : i1 to vector<16xi1>
      %reduce_sum3A_629 = tpu.scan <sum>, %mul3A_626 masked %reduce_sum3A_628 : vector<16xf32>, vector<16xi1> -> vector<16xf32>
      %reduce_sum3A_630 = vector.extract %reduce_sum3A_629[15] : f32 from vector<16xf32>
      %eq3A_631 = arith.constant 15 : i32
      %eq3A_632 = vector.broadcast %eq3A_631 : i32 to vector<16xi32>
      %eq3A_633 = arith.cmpi eq, %iota3A, %eq3A_632 : vector<16xi32>
      %add3A_634 = vector.broadcast %reduce_sum3A_630 : f32 to vector<16xf32>
      %add3A_635 = arith.addf %select_n3A_615, %add3A_634 : vector<16xf32>
      %select_n3A_636 = arith.select %eq3A_633, %add3A_635, %select_n3A_615 : vector<16xi1>, vector<16xf32>
      %swap3A = arith.index_cast %mul3A_297 : i32 to index
      %swap3A_637 = tpu.vector_load %arg16[%swap3A] {strides = array<i32>} : memref<512xf32, #tpu.memory_space<vmem>>, vector<16xf32>,
      tpu.vector_store %arg16[%swap3A], %select_n3A_636 {strides = array<i32>} : memref<512xf32, #tpu.memory_space<vmem>>, vector<16xf32>,
    }
    %scan3A_294 = arith.constant 32 : i32
    "tpu.region"() ({
      %run_scoped3A = tpu.sem_alloc : memref<!tpu.dma_semaphore, #tpu.memory_space<semaphore_mem>>
      %dma_start3A_295 = tpu.memref_slice %arg9[%mul3A_2] : memref<16384xf32, #tpu.memory_space<hbm>> -> memref<512xf32, #tpu.memory_space<hbm>>
      %dma_start3A_296 = tpu.memref_slice %arg9[%mul3A_2] : memref<16384xf32, #tpu.memory_space<hbm>> -> memref<512xf32, #tpu.memory_space<hbm>>
      tpu.enqueue_dma source(%arg16 : memref<512xf32, #tpu.memory_space<vmem>>) target(%dma_start3A_296 : memref<512xf32, #tpu.memory_space<hbm>>) target_semaphore(%run_scoped3A : memref<!tpu.dma_semaphore, #tpu.memory_space<semaphore_mem>>)
      %dma_wait3A_297 = tpu.memref_slice %arg9[%mul3A_2] : memref<16384xf32, #tpu.memory_space<hbm>> -> memref<512xf32, #tpu.memory_space<hbm>>
      %dma_wait3A_298 = tpu.memref_slice %arg9[%mul3A_2] : memref<16384xf32, #tpu.memory_space<hbm>> -> memref<512xf32, #tpu.memory_space<hbm>>
      tpu.wait_dma2 semaphore(%run_scoped3A : memref<!tpu.dma_semaphore, #tpu.memory_space<semaphore_mem>>) src(%arg16 : memref<512xf32, #tpu.memory_space<vmem>>) dst(%dma_wait3A_298 : memref<512xf32, #tpu.memory_space<hbm>>)
      tpu.yield
    }) : () -> ()
    return
  }
}

</mosaic_0001>

<sc_bundles>
// kernel: kernel.3.cloned.1.call-start
scs
__scs_entry_jumppad:
0x0: {  	(pc) =	sbr.rel $0x88, $3  }
0x1: {  	(tag) =	ssettag $0x0;
	lr =	simm.s32 $0x1  }
0x2: {  	[smem:$0x3F9A] =	sst lr;
	_ =	strace $0xD0000000  }
0x3: {  	_ = 	snop  }
0x4: {  	_ = 	snop  }
0x5: {  	_ = 	snop  }
0x6: {  	_ = 	snop  }
0x7: {  	_ = 	snop  }
__scs_overlays_trampoline_lowered:
0x8: {  	[smem:$0x3FA9] =	sst s0  }
0x9: {  	[smem:$0x3FAA] =	sst s1  }
0xa: {  	[smem:$0x3FAB] =	sst s2  }
0xb: {  	[smem:$0x3FAC] =	sst s3  }
0xc: {  	[smem:$0x3FAD] =	sst s4  }
0xd: {  	[smem:$0x3FAE] =	sst s5  }
0xe: {  	[smem:$0x3FAF] =	sst s6  }
0xf: {  	[smem:$0x3FB0] =	sst s7  }
0x10: {  	[smem:$0x3FB1] =	sst s8  }
0x11: {  	[smem:$0x3FB2] =	sst s9;
	s0 =	simm.s32 @!p0 $0x0  }
0x12: {  	s1 =	sld [smem:$0x3F98];
	s0 =	simm.s32 @p0 $0x1  }
0x13: {  	[smem:$0x3FB3] =	sst s0;
	s0 =	simm.s32 @!p1 $0x0  }
0x14: {  	s2 =	sld [smem:$0x3F97];
	s0 =	simm.s32 @p1 $0x1  }
0x15: {  	[smem:$0x3FB4] =	sst s0;
	s0 =	simm.s32 @!p2 $0x0  }
0x16: {  	s3 =	sld [smem:$0x3FDB];
	s0 =	simm.s32 @p2 $0x1  }
0x17: {  	s4 =	simm.s32 $0x1BF5;
	[smem:$0x3FB6] =	sst s0  }
0x18: {  	s0 =	sld [smem:$0x3F99];
	_ =	swait.ge [sflag:s4], $0x0  }
0x19: {  	s7 =	sld [smem:$0x3F9A]  }
0x1a: {  	s8 =	sadd.s32 $0xFFFFE003, lr  }
0x1b: {  	s9 =	sadd.s32 $0xFFFFFEF7, lr;
	s5 =	simm.s32 $0xFFFFFFFF;
	p2 =	slt.u32 s8, $0xFFFFF086  }
0x1c: {  	p1 =	slt.u32 s9, $0xF7A;
	s5 =	simm.s32 @!p2 $0x0  }
0x1d: {  	s5 =	simm.s32 @p1 $0x1;
	p0 =	seq.s32 s7, s2  }
0x1e: {  	s7 =	smul.u32 @!p0 $0xF7A, s2;
	p2 =	seq.s32 @!p0 s5, $0x0  }
0x1f: {  	s9 =	smul.u32 $0xF7A, s1;
	s8 =	simm.s32 @!p0 $0x1BF5;
	p2 =	por !p2, p0  }
0x20: {  	[sflag:s8] =	ssyncset.s32 @!p0 $0xFFFFF086;
	s6 =	sadd.s32 @!p0 s3, s7;
	s7 =	simm.s32 @!p0 $0x108  }
0x21: {  	s3 =	sadd.s32 s3, s9;
	s6 =	sadd.s32 @!p0 $0x88, s6;
	s7 =	simm.s32 @p2 $0x1082  }
0x22: {  	[simem:s7], [sflag:s8] =	dma.local @!p0 [hbm:s6], $0xF7A  }
0x23: {  	s9 =	sor.u32 $0xD0000000, s2;
	s6 =	simm.s32 $0x108;
	_ =	swait.ge @!p0 [sflag:s8], $0x0  }
0x24: {  	s3 =	sadd.s32 $0x88, s3;
	s6 =	simm.s32 @!p1 $0x1082;
	[sflag:s4] =	ssyncset.s32 $0xFFFFF086  }
0x25: {  	[simem:s6], [sflag:s4] =	dma.local [hbm:s3], $0xF7A  }
0x26: {  	[smem:$0x3F9A] =	sst s1;
	(tag) =	ssettag s2;
	_ =	strace s9  }
0x27: {  	s1 =	sld [smem:$0x3FAA]  }
0x28: {  	s2 =	sld [smem:$0x3FAB]  }
0x29: {  	s4 =	sld [smem:$0x3FAD]  }
0x2a: {  	p0 =	seq.s32 s5, $0x0;
	s5 =	sld [smem:$0x3FAE]  }
0x2b: {  	s6 =	sld [smem:$0x3FAF]  }
0x2c: {  	s7 =	sld [smem:$0x3FB0]  }
0x2d: {  	s3 =	simm.s32 $0x108;
	s8 =	sld [smem:$0x3FB1]  }
0x2e: {  	s3 =	simm.s32 @!p0 $0x1082;
	s9 =	sld [smem:$0x3FB2]  }
0x2f: {  	lr =	sadd.s32 s0, s3;
	s0 =	sld [smem:$0x3FA9]  }
0x30: {  	s3 =	sld [smem:$0x3FAC]  }
0x31: {  	[smem:$0x3FB5] =	sst s10  }
0x32: {  	s10 =	sld [smem:$0x3FB3];
	_ =	sdelay $0x3  }
0x33: {  	p0 =	seq.s32 s10, $0x1;
	s10 =	sld [smem:$0x3FB5];
	_ =	sdelay $0x3  }
0x34: {  	[smem:$0x3FB5] =	sst s10  }
0x35: {  	s10 =	sld [smem:$0x3FB4];
	_ =	sdelay $0x3  }
0x36: {  	p1 =	seq.s32 s10, $0x1;
	s10 =	sld [smem:$0x3FB5];
	_ =	sdelay $0x3  }
0x37: {  	[smem:$0x3FB5] =	sst s10  }
0x38: {  	s10 =	sld [smem:$0x3FB6]  }
0x39: {  	_ = 	snop;
	(pc) =	sbr.ind lr, $3  }
0x3a: {  	_ = 	snop  }
0x3b: {  	_ = 	snop  }
0x3c: {  	p2 =	seq.s32 s10, $0x1;
	s10 =	sld [smem:$0x3FB5]  }
0x3d: {  	_ =	shalt  }
0x3e: {  	_ =	shalt  }
0x3f: {  	_ =	shalt  }
0x40: {  	_ =	shalt  }
0x41: {  	_ =	shalt  }
0x42: {  	_ =	shalt  }
0x43: {  	_ =	shalt  }
0x44: {  	_ =	shalt  }
0x45: {  	_ =	shalt  }
0x46: {  	_ =	shalt  }
0x47: {  	_ =	shalt  }
0x48: {  	_ =	shalt  }
0x49: {  	_ =	shalt  }
0x4a: {  	_ =	shalt  }
0x4b: {  	_ =	shalt  }
0x4c: {  	_ =	shalt  }
0x4d: {  	_ =	shalt  }
0x4e: {  	_ =	shalt  }
0x4f: {  	_ =	shalt  }
0x50: {  	_ =	shalt  }
0x51: {  	_ =	shalt  }
0x52: {  	_ =	shalt  }
0x53: {  	_ =	shalt  }
0x54: {  	_ =	shalt  }
0x55: {  	_ =	shalt  }
0x56: {  	_ =	shalt  }
0x57: {  	_ =	shalt  }
0x58: {  	_ =	shalt  }
0x59: {  	_ =	shalt  }
0x5a: {  	_ =	shalt  }
0x5b: {  	_ =	shalt  }
0x5c: {  	_ =	shalt  }
0x5d: {  	_ =	shalt  }
0x5e: {  	_ =	shalt  }
0x5f: {  	_ =	shalt  }
0x60: {  	_ =	shalt  }
0x61: {  	_ =	shalt  }
0x62: {  	_ =	shalt  }
0x63: {  	_ =	shalt  }
0x64: {  	_ =	shalt  }
0x65: {  	_ =	shalt  }
0x66: {  	_ =	shalt  }
0x67: {  	_ =	shalt  }
0x68: {  	_ =	shalt  }
0x69: {  	_ =	shalt  }
0x6a: {  	_ =	shalt  }
0x6b: {  	_ =	shalt  }
0x6c: {  	_ =	shalt  }
0x6d: {  	_ =	shalt  }
0x6e: {  	_ =	shalt  }
0x6f: {  	_ =	shalt  }
0x70: {  	_ =	shalt  }
0x71: {  	_ =	shalt  }
0x72: {  	_ =	shalt  }
0x73: {  	_ =	shalt  }
0x74: {  	_ =	shalt  }
0x75: {  	_ =	shalt  }
0x76: {  	_ =	shalt  }
0x77: {  	_ =	shalt  }
0x78: {  	_ =	shalt  }
0x79: {  	_ =	shalt  }
0x7a: {  	_ =	shalt  }
0x7b: {  	_ =	shalt  }
0x7c: {  	_ =	shalt  }
0x7d: {  	_ =	shalt  }
0x7e: {  	_ =	shalt  }
0x7f: {  	_ =	shalt  }
0x80: {  	_ =	shalt  }
0x81: {  	_ =	shalt  }
0x82: {  	_ =	shalt  }
0x83: {  	_ =	shalt  }
0x84: {  	_ =	shalt  }
0x85: {  	_ =	shalt  }
0x86: {  	_ =	shalt  }
0x87: {  	_ =	shalt  }
.Lfunc_end0:
.L_simem_size_0:
called_computation_lowered:
.L_overlay_start_0:
0x88: {  	s2 =	sld [smem:$0x3FD9]  }
0x89: {  	s3 =	sld [smem:$0x3FFE];
	_ =	sdelay $0x1  }
0x8a: {  	s1 =	srdreg.scid  }
0x8b: {  	s0 =	sand.u32 $0x1, s1  }
0x8c: {  	s17 =	sshll.u32 s0, $0xA;
	s2 =	sadd.s32 s3, s2  }
0x8d: {  	s2 =	sadd.s32 s2, s17  }
0x8e: {  	[smem:$0x3FC1] =	sst s2  }
0x8f: {  	_ = 	snop  }
0x90: {  	s2 =	sld [smem:$0x3FC9]  }
0x91: {  	s18 =	sld [smem:$0x3FC8]  }
0x92: {  	s4 =	sld [smem:$0x3FD0];
	(tm) =	ssettm $0x1  }
0x93: {  	s5 =	sld [smem:$0x3FFB];
	_ =	sdelay $0x3  }
0x94: {  	_ =	strace s5  }
0x95: {  	s5 =	sld [smem:$0x3FFC];
	_ =	sdelay $0x3  }
0x96: {  	_ =	strace s5  }
0x97: {  	s5 =	sld [smem:$0x3FFD];
	_ =	sdelay $0x3  }
0x98: {  	_ =	strace s5  }
0x99: {  	_ =	strace $0x8FFFFFFF  }
0x9a: {  	s19 =	sld [smem:$0x3FDB];
	_ =	sdelay $0x1  }
0x9b: {  	s6 =	simm.s32 $_scs_section_size  }
0x9c: {  	s7 =	simm.s32 $_size__tile_overlayer_lowered;
	s8 =	simm.s32 $_tile_overlayer_lowered  }
0x9d: {  	s22 =	simm.s32 $0x1BFF;
	s21 =	sshll.u32 s8, $0x1;
	s5 =	sadd.s32 s6, s19  }
0x9e: {  	s9 =	simm.s32 $0x0;
	s20 =	sshll.u32 s7, $0x1;
	s7 =	sadd.s32 s21, s5  }
0x9f: {  	[timem:s9], [sflag:s22] =	dma.local [hbm:s7], s20  }
0xa0: {  	_ =	swait.ge [sflag:s22], s20  }
0xa1: {  	s6 =	ssub.s32 $0x0, s20;
	[sflag:s22] =	ssyncset.done $0x0  }
0xa2: {  	[sflag:s22] =	ssyncadd.s32 s6;
	_ =	sdelay $0x1  }
0xa3: {  	s23 =	simm.s32 $0x1B8B  }
0xa4: {  	_ =	swait.ge [sflag:s23], $0x1  }
0xa5: {  	[sflag:s23] =	ssyncset.done $0x0  }
0xa6: {  	s25 =	simm.s32 $0x1B8E;
	s24 =	sld [smem:$0x3FFE];
	[sflag:s23] =	ssyncadd.s32 $0xFFFFFFFF  }
0xa7: {  	s26 =	simm.s32 $execute0_lowered;
	[smem:$0x3FD2] =	sst s25  }
0xa8: {  	s7 =	sshll.u32 s26, $0x1;
	_ =	strace $0x80000046;
	[dreg:$0x1] =	wrdreg $0xFFFFFFFF  }
0xa9: {  	s28 =	simm.s32 $_size_execute0_lowered;
	s5 =	sadd.s32 s5, s7;
	[dreg:$0x0] =	wrdreg $0x0  }
0xaa: {  	s7 =	sshll.u32 s28, $0x1;
	[dreg:$0x2] =	wrdreg s5  }
0xab: {  	[dreg:$0x3] =	wrdreg s7  }
0xac: {  	[dreg:$0x4] =	wrdreg $0xC0  }
0xad: {  	_ =	task [dreg:s9], $0x5FFFF  }
0xae: {  	[dreg:$0x1] =	wrdreg $0xFFFFFFFF  }
0xaf: {  	[dreg:$0x0] =	wrdreg $0x60  }
0xb0: {  	[dreg:$0x2] =	wrdreg s2  }
0xb1: {  	[dreg:$0x3] =	wrdreg s18  }
0xb2: {  	[dreg:$0x4] =	wrdreg s24  }
0xb3: {  	[dreg:$0x5] =	wrdreg s4  }
0xb4: {  	[dreg:$0x6] =	wrdreg $0x9  }
0xb5: {  	_ =	task.clear_ibuf [dreg:s9], $0x7FFFF;
	_ =	strace $0x90000046  }
0xb6: {  	s29 =	simm.s32 $0x9;
	_ =	strace $0x80000048  }
0xb7: {  	_ =	swait.ge [sflag:s29], $0x1  }
0xb8: {  	[sflag:s29] =	ssyncadd.s32 $0xFFFFFFFF  }
0xb9: {  	_ =	strace $0x90000048  }
0xba: {  	_ =	sfence  }
0xbb: {  	s30 =	sld [smem:$0x0];
	_ =	sdelay $0x2  }
0xbc: {  	s31 =	sshll.u32 s1, $0xD;
	s1 =	sshrl.u32 s1, $0x2  }
0xbd: {  	s3 =	sand.u32 $0x4000, s31;
	s1 =	sadd.s32 s1, s30  }
0xbe: {  	s0 =	sor.u32 s3, s0;
	s1 =	sshll.u32 s1, $0x11  }
0xbf: {  	s0 =	sor.u32 s1, s0  }
0xc0: {  	s0 =	sadd.s32 $0x8F2B, s0  }
0xc1: {  	[sflag:s0] =	ssyncadd.remote.s32 $0x1  }
0xc2: {  	_ =	sfence.sel $0xFFFF  }
0xc3: {  	[dreg:$0x0] =	wrdreg $0xFFFFFFFF;
	(pc) =	sbr.abs _section_cstart, $3  }
0xc4: {  	[dreg:$0x1] =	wrdreg $0xFFFFFFFF  }
0xc5: {  	_ =	task.clear_ibuf [dreg:s9], $0x2FFFF;
	_ =	strace $0x9FFFFFFF  }
0xc6: {  	(tm) =	ssettm $0x7FFFFFFF  }
0xc7: {  	_ =	shalt  }
tec
execute0_lowered:
.L_overlay_start_1:
0x0: {  	(tag) =	ssettag $0x1  }
0x1: {  	s0 =	rddreg [dreg:$0x0]  }
0x2: {  	s3 =	rddreg [dreg:$0x1]  }
0x3: {  	s1 =	rddreg [dreg:$0x2]  }
0x4: {  	s10 =	rddreg [dreg:$0x3];
	s2 =	simm.s32 $0x0  }
0x5: {  	s7 =	srdreg.scid;
	s9 =	stileid.u32;
	s13 =	simm.s32 $0x200  }
0x6: {  	s15 =	simm.s32 $0x80;
	s21 =	simm.s32 $0x280;
	s25 =	simm.s32 $0x100  }
0x7: {  	s28 =	simm.s32 $0x300;
	s30 =	simm.s32 $0x4500;
	s31 =	simm.s32 $0x4700  }
0x8: {  	s14 =	simm.s32 $0x380;
	s16 =	simm.s32 $0x3C00;
	s17 =	simm.s32 $0x4580  }
0x9: {  	vm0 =	vmmov $0x1;
	s18 =	simm.s32 $0x4780;
	s19 =	simm.s32 $0x1;
	s20 =	simm.s32 $0x4800  }
0xa: {  	vm1 =	vcmask $0x30C;
	vm2 =	vcmask $0xF0C;
	vm3 =	vcmask $0x714;
	s22 =	simm.s32 $0x0;
	[smem:$0x7FF] =	sst s2;
	s4 =	sadd.s32 $0x112AA00, s1  }
0xb: {  	vm4 =	vcmask $0xF18;
	vm5 =	vcmask $0x131C;
	vm6 =	vcmask $0x1F1C;
	s5 =	sadd.s32 $0xF42400, s1;
	s6 =	sadd.s32 $0x1EA00, s1;
	s7 =	sand.u32 $0x1, s7  }
0xc: {  	vm7 =	vcmask $0x1724;
	vm8 =	vcmask $0x1F28;
	vm9 =	vcmask $0x232C;
	s9 =	sshll.u32 s9, $0x7;
	s8 =	ssub.s32 $0x2, s7;
	s11 =	sshll.u32 s7, $0x6  }
0xd: {  	vm10 =	vcmask $0x2F2C;
	vm11 =	vcmask $0x2734;
	vm12 =	vcmask $0x2F38;
	_ =	strace $0x80000047;
	s12 =	sshrl.u32 s8, $0x1;
	s11 =	sor.u32 s11, s9  }
0xe: {  	vm13 =	vcmask $0x333C;
	vm14 =	vmmov $0x3fff;
	vm15 =	vmmov $0x7fff;
	s7 =	sadd.s32 $0x3D400, s1;
	s12 =	ssub.s32 s8, s12;
	s8 =	sadd.s32 s0, s11  }
0xf: {  	vm2 =	vmor vm3, vm2;
	vm3 =	vcmask $0xB14;
	vm6 =	vmor vm7, vm6;
	s9 =	sadd.s32 s3, s11;
	s10 =	sadd.s32 s10, s11;
	s0 =	simm.s32 $0x180  }
0x10: {  	vm7 =	vcmask $0x1B24;
	vm10 =	vmor vm11, vm10;
	vm11 =	vcmask $0x2B34;
	s3 =	simm.s32 $0x1C00;
	s11 =	smax.u32 s12, $0x1;
	s12 =	simm.s32 $0x2  }
.LBB2_1:
0x11: {  	[tilespmem:s2], [sflag:$0x2] =	stream.linear.gather [hbm4b:s8+s2], $0x200, $0x38;
	[tilespmem:$0x4A10] =	vst v63  }
0x12: {  	_ =	swait.ge [sflag:s12], $0x200  }
0x13: {  	[sflag:s12] =	ssyncset.done $0x0  }
0x14: {  	[sflag:s12] =	ssyncadd.s32 $0xFFFFFE00  }
0x15: {  	[tilespmem:s13], [sflag:$0x2] =	stream.linear.gather [hbm4b:s9+s2], $0x200, $0x38;
	[tilespmem:$0x4A10] =	vst v63  }
0x16: {  	_ =	swait.ge [sflag:s12], $0x200  }
0x17: {  	[sflag:s12] =	ssyncset.done $0x0  }
0x18: {  	s23 =	simm.s32 $0x4A00;
	[sflag:s12] =	ssyncadd.s32 $0xFFFFFE00  }
0x19: {  	[tilespmem:s23], [sflag:$0x2] =	stream.linear.gather [hbm4b:s7+s2], $0x10, $0x38;
	[tilespmem:$0x4A10] =	vst v63  }
0x1a: {  	_ =	swait.ge [sflag:s12], $0x10  }
0x1b: {  	[sflag:s12] =	ssyncset.done $0x0  }
0x1c: {  	s29 =	simm.s32 $0x400;
	[sflag:s12] =	ssyncadd.s32 $0xFFFFFFF0  }
0x1d: {  	[tilespmem:s29], [sflag:$0x1] =	stream.indirect.gather [hbm4b:s4+s15], $0x10, s2, s15, $0xb8;
	[tilespmem:$0x4A10] =	vst v63  }
0x1e: {  	s24 =	simm.s32 $0x2400  }
0x1f: {  	[tilespmem:s24], [sflag:$0x1] =	stream.indirect.gather [hbm4b:s5+s15], $0x10, s13, s15, $0xb8;
	[tilespmem:$0x4A10] =	vst v63  }
0x20: {  	s26 =	simm.s32 $0x4400  }
0x21: {  	[tilespmem:s26], [sflag:$0x1] =	stream.indirect.gather [hbm4b:s6+s15], $0x1, s2, s15, $0xb8;
	[tilespmem:$0x4A10] =	vst v63  }
0x22: {  	s29 =	simm.s32 $0x4600  }
0x23: {  	[tilespmem:s29], [sflag:$0x1] =	stream.indirect.gather [hbm4b:s1+s15], $0x1, s13, s15, $0xb8;
	[tilespmem:$0x4A10] =	vst v63  }
0x24: {  	s24 =	simm.s32 $0xC00  }
0x25: {  	[tilespmem:s24], [sflag:$0x1] =	stream.indirect.gather [hbm4b:s4+s15], $0x10, s15, s15, $0xb8;
	[tilespmem:$0x4A10] =	vst v63  }
0x26: {  	s26 =	simm.s32 $0x2C00  }
0x27: {  	[tilespmem:s26], [sflag:$0x1] =	stream.indirect.gather [hbm4b:s5+s15], $0x10, s21, s15, $0xb8;
	[tilespmem:$0x4A10] =	vst v63  }
0x28: {  	s29 =	simm.s32 $0x4480  }
0x29: {  	[tilespmem:s29], [sflag:$0x1] =	stream.indirect.gather [hbm4b:s6+s15], $0x1, s15, s15, $0xb8;
	[tilespmem:$0x4A10] =	vst v63  }
0x2a: {  	s24 =	simm.s32 $0x4680  }
0x2b: {  	[tilespmem:s24], [sflag:$0x1] =	stream.indirect.gather [hbm4b:s1+s15], $0x1, s21, s15, $0xb8;
	[tilespmem:$0x4A10] =	vst v63  }
0x2c: {  	s26 =	simm.s32 $0x1400  }
0x2d: {  	[tilespmem:s26], [sflag:$0x1] =	stream.indirect.gather [hbm4b:s4+s15], $0x10, s25, s15, $0xb8;
	[tilespmem:$0x4A10] =	vst v63  }
0x2e: {  	s29 =	simm.s32 $0x3400  }
0x2f: {  	[tilespmem:s29], [sflag:$0x1] =	stream.indirect.gather [hbm4b:s5+s15], $0x10, s28, s15, $0xb8;
	[tilespmem:$0x4A10] =	vst v63  }
0x30: {  	_ = 	snop  }
0x31: {  	[tilespmem:s30], [sflag:$0x1] =	stream.indirect.gather [hbm4b:s6+s15], $0x1, s25, s15, $0xb8;
	[tilespmem:$0x4A10] =	vst v63  }
0x32: {  	_ = 	snop  }
0x33: {  	[tilespmem:s31], [sflag:$0x1] =	stream.indirect.gather [hbm4b:s1+s15], $0x1, s28, s15, $0xb8;
	[tilespmem:$0x4A10] =	vst v63  }
0x34: {  	_ = 	snop  }
0x35: {  	[tilespmem:s3], [sflag:$0x1] =	stream.indirect.gather [hbm4b:s4+s15], $0x10, s0, s15, $0xb8;
	[tilespmem:$0x4A10] =	vst v63  }
0x36: {  	_ = 	snop  }
0x37: {  	[tilespmem:s16], [sflag:$0x1] =	stream.indirect.gather [hbm4b:s5+s15], $0x10, s14, s15, $0xb8;
	[tilespmem:$0x4A10] =	vst v63  }
0x38: {  	_ = 	snop  }
0x39: {  	[tilespmem:s17], [sflag:$0x1] =	stream.indirect.gather [hbm4b:s6+s15], $0x1, s0, s15, $0xb8;
	[tilespmem:$0x4A10] =	vst v63  }
0x3a: {  	_ = 	snop  }
0x3b: {  	[tilespmem:s18], [sflag:$0x1] =	stream.indirect.gather [hbm4b:s1+s15], $0x1, s14, s15, $0xb8;
	[tilespmem:$0x4A10] =	vst v63  }
0x3c: {  	_ =	swait.ge [sflag:s19], $0x800  }
0x3d: {  	[sflag:s19] =	ssyncset.done $0x0  }
0x3e: {  	[sflag:s19] =	ssyncadd.s32 $0xFFFFF800  }
0x3f: {  	_ =	swait.ge [sflag:s19], $0x800  }
0x40: {  	[sflag:s19] =	ssyncset.done $0x0  }
0x41: {  	[sflag:s19] =	ssyncadd.s32 $0xFFFFF800  }
0x42: {  	_ =	swait.ge [sflag:s19], $0x80  }
0x43: {  	[sflag:s19] =	ssyncset.done $0x0  }
0x44: {  	[sflag:s19] =	ssyncadd.s32 $0xFFFFFF80  }
0x45: {  	_ =	swait.ge [sflag:s19], $0x80  }
0x46: {  	[sflag:s19] =	ssyncset.done $0x0  }
0x47: {  	[sflag:s19] =	ssyncadd.s32 $0xFFFFFF80  }
0x48: {  	_ =	swait.ge [sflag:s19], $0x800  }
0x49: {  	[sflag:s19] =	ssyncset.done $0x0  }
0x4a: {  	[sflag:s19] =	ssyncadd.s32 $0xFFFFF800  }
0x4b: {  	_ =	swait.ge [sflag:s19], $0x800  }
0x4c: {  	[sflag:s19] =	ssyncset.done $0x0  }
0x4d: {  	[sflag:s19] =	ssyncadd.s32 $0xFFFFF800  }
0x4e: {  	_ =	swait.ge [sflag:s19], $0x80  }
0x4f: {  	[sflag:s19] =	ssyncset.done $0x0  }
0x50: {  	[sflag:s19] =	ssyncadd.s32 $0xFFFFFF80  }
0x51: {  	_ =	swait.ge [sflag:s19], $0x80  }
0x52: {  	[sflag:s19] =	ssyncset.done $0x0  }
0x53: {  	[sflag:s19] =	ssyncadd.s32 $0xFFFFFF80  }
0x54: {  	_ =	swait.ge [sflag:s19], $0x800  }
0x55: {  	[sflag:s19] =	ssyncset.done $0x0  }
0x56: {  	[sflag:s19] =	ssyncadd.s32 $0xFFFFF800  }
0x57: {  	_ =	swait.ge [sflag:s19], $0x800  }
0x58: {  	[sflag:s19] =	ssyncset.done $0x0  }
0x59: {  	[sflag:s19] =	ssyncadd.s32 $0xFFFFF800  }
0x5a: {  	_ =	swait.ge [sflag:s19], $0x80  }
0x5b: {  	[sflag:s19] =	ssyncset.done $0x0  }
0x5c: {  	[sflag:s19] =	ssyncadd.s32 $0xFFFFFF80  }
0x5d: {  	_ =	swait.ge [sflag:s19], $0x80  }
0x5e: {  	[sflag:s19] =	ssyncset.done $0x0  }
0x5f: {  	[sflag:s19] =	ssyncadd.s32 $0xFFFFFF80  }
0x60: {  	_ =	swait.ge [sflag:s19], $0x800  }
0x61: {  	[sflag:s19] =	ssyncset.done $0x0  }
0x62: {  	[sflag:s19] =	ssyncadd.s32 $0xFFFFF800  }
0x63: {  	_ =	swait.ge [sflag:s19], $0x800  }
0x64: {  	[sflag:s19] =	ssyncset.done $0x0  }
0x65: {  	[sflag:s19] =	ssyncadd.s32 $0xFFFFF800  }
0x66: {  	_ =	swait.ge [sflag:s19], $0x80  }
0x67: {  	[sflag:s19] =	ssyncset.done $0x0  }
0x68: {  	[sflag:s19] =	ssyncadd.s32 $0xFFFFFF80  }
0x69: {  	_ =	swait.ge [sflag:s19], $0x80  }
0x6a: {  	[sflag:s19] =	ssyncset.done $0x0  }
0x6b: {  	[sflag:s19] =	ssyncadd.s32 $0xFFFFFF80  }
0x6c: {  	s23 =	simm.s32 $0x480;
	s24 =	simm.s32 $0x2480;
	s26 =	simm.s32 $0x0;
	v0 =	vld [tilespmem:$0x4A00]  }
.LBB2_2:
0x6d: {  	v3 =	vld [tilespmem:s23+$0xFFFFFF80]  }
0x6e: {  	v4 =	vld [tilespmem:s24+$0xFFFFFF80]  }
0x6f: {  	v5 =	vld [tilespmem:s23+$0xFFFFFF90]  }
0x70: {  	v6 =	vld [tilespmem:s24+$0xFFFFFF90]  }
0x71: {  	v7 =	vld [tilespmem:s23+$0xFFFFFFA0]  }
0x72: {  	v8 =	vld [tilespmem:s24+$0xFFFFFFA0]  }
0x73: {  	v9 =	vld [tilespmem:s23+$0xFFFFFFB0]  }
0x74: {  	v10 =	vld [tilespmem:s24+$0xFFFFFFB0]  }
0x75: {  	v11 =	vld [tilespmem:s23+$0xFFFFFFC0]  }
0x76: {  	v12 =	vld [tilespmem:s24+$0xFFFFFFC0]  }
0x77: {  	v13 =	vld [tilespmem:s23+$0xFFFFFFD0]  }
0x78: {  	v14 =	vld [tilespmem:s24+$0xFFFFFFD0]  }
0x79: {  	v15 =	vld [tilespmem:s23+$0xFFFFFFE0]  }
0x7a: {  	v23 =	vld [tilespmem:s24+$0xFFFFFFE0]  }
0x7b: {  	v24 =	vld [tilespmem:s23+$0xFFFFFFF0]  }
0x7c: {  	v26 =	vld [tilespmem:s23+$0x0];
	v3 =	vmul.f32 v4, v3  }
0x7d: {  	v28 =	vld [tilespmem:s24+$0x0]  }
0x7e: {  	v29 =	vld [tilespmem:s23+$0x10];
	v5 =	vmul.f32 v6, v5;
	(xrf2) =	vadd.scan.msk.f32 $0xffff, v3  }
0x7f: {  	v31 =	vld [tilespmem:s24+$0x10]  }
0x80: {  	v33 =	vld [tilespmem:s23+$0x20];
	(xrf2) =	vadd.scan.msk.f32 $0xffff, v5  }
0x81: {  	v25 =	vmul.f32 v8, v7;
	v3 =	vld [tilespmem:s24+$0xFFFFFFF0]  }
0x82: {  	s29 =	sshra.s32 s26, $0x2;
	v34 =	vld [tilespmem:s24+$0x20];
	v27 =	vmul.f32 v10, v9  }
0x83: {  	v1 =	vld [tilespmem:s29+$0x4400];
	v30 =	vmul.f32 v12, v11;
	(xrf2) =	vadd.scan.msk.f32 $0xffff, v25  }
0x84: {  	v2 =	vld [tilespmem:s29+$0x4600];
	v32 =	vmul.f32 v14, v13;
	(xrf2) =	vadd.scan.msk.f32 $0xffff, v27  }
0x85: {  	v35 =	vld [tilespmem:s23+$0x30];
	v4 =	vmul.f32 v23, v15;
	(xrf2) =	vadd.scan.msk.f32 $0xffff, v30  }
0x86: {  	v36 =	vld [tilespmem:s24+$0x30];
	(xrf2) =	vadd.scan.msk.f32 $0xffff, v32;
	v3 =	vmul.f32 v3, v24  }
0x87: {  	v38 =	vld [tilespmem:s24+$0x40];
	(xrf2) =	vadd.scan.msk.f32 $0xffff, v4  }
0x88: {  	v40 =	vld [tilespmem:s23+$0x50];
	v37, _, _ =	vpop (xrf2);
	(xrf2) =	vadd.scan.msk.f32 $0xffff, v3;
	v3 =	vmul.f32 v28, v26  }
0x89: {  	v1 =	vadd.f32 v2, v1;
	v2 =	vld [tilespmem:s23+$0x40]  }
0x8a: {  	v39, _, _ =	vpop (xrf2);
	(xrf2) =	vadd.scan.msk.f32 $0xffff, v3;
	v3 =	vld [tilespmem:s24+$0x50]  }
0x8b: {  	v43 =	vld [tilespmem:s23+$0x60];
	v1 =	vadd.f32 v1, v0;
	v5 =	vmul.f32 v31, v29;
	v4 =	vbroadcast v37, $0xF  }
0x8c: {  	v46 =	vld [tilespmem:s24+$0x60];
	v42 =	vmul.f32 v34, v33;
	v9 =	vbroadcast v39, $0xF  }
0x8d: {  	v6 =	vmul.f32 v36, v35;
	v41, _, _ =	vpop (xrf2);
	v4 =	vadd.f32 v4, v1;
	(xrf2) =	vadd.scan.msk.f32 $0xffff, v5  }
0x8e: {  	v2 =	vmul.f32 v38, v2;
	v44 =	vbroadcast v41, $0xF;
	v45, _, _ =	vpop (xrf2);
	v9 =	vadd.f32 v9, v1;
	(xrf2) =	vadd.scan.msk.f32 $0xffff, v42  }
0x8f: {  	v47 =	vbroadcast v45, $0xF;
	v49, _, _ =	vpop (xrf2);
	v1 =	vsel vm0, v4, v1;
	(xrf2) =	vadd.scan.msk.f32 $0xffff, v6;
	v3 =	vmul.f32 v3, v40  }
0x90: {  	v52, _, _ =	vpop (xrf2);
	v48 =	vsel vm1, v1, v9;
	v1 =	vadd.f32 v44, v1;
	(xrf2) =	vadd.scan.msk.f32 $0xffff, v2  }
0x91: {  	v51 =	vbroadcast v49, $0xF;
	v55, _, _ =	vpop (xrf2);
	v4 =	vadd.f32 v47, v48;
	(xrf2) =	vadd.scan.msk.f32 $0xffff, v3;
	v3 =	vmul.f32 v46, v43  }
0x92: {  	v50 =	vld [tilespmem:s23+$0x70];
	v2 =	vbroadcast v52, $0xF;
	v1 =	vsel vm2, v48, v1  }
0x93: {  	v53 =	vld [tilespmem:s24+$0x70];
	v54 =	vadd.f32 v51, v48;
	v1 =	vsel vm3, v1, v4  }
0x94: {  	v5 =	vbroadcast v55, $0xF;
	v2 =	vadd.f32 v2, v1;
	v56, _, _ =	vpop (xrf2)  }
0x95: {  	v1 =	vsel vm4, v1, v54;
	v57 =	vbroadcast v56, $0xF;
	(xrf2) =	vadd.scan.msk.f32 $0xffff, v3;
	v3, _, _ =	vpop (xrf2)  }
0x96: {  	v2 =	vsel vm5, v1, v2;
	v1 =	vadd.f32 v5, v1;
	v3 =	vbroadcast v3, $0xF  }
0x97: {  	v4 =	vadd.f32 v57, v2;
	v59, _, _ =	vpop (xrf2)  }
0x98: {  	v58 =	vmul.f32 v53, v50;
	v1 =	vsel vm6, v2, v1;
	v6 =	vbroadcast v59, $0xF  }
0x99: {  	v60, _, _ =	vpop (xrf2);
	v1 =	vsel vm7, v1, v4;
	v2 =	vadd.f32 v3, v2  }
0x9a: {  	(xrf2) =	vadd.scan.msk.f32 $0xffff, v58;
	v5 =	vbroadcast v60, $0xF;
	v4 =	vadd.f32 v6, v1;
	v3, _, _ =	vpop (xrf2)  }
0x9b: {  	v1 =	vsel vm8, v1, v2;
	v2 =	vbroadcast v3, $0xF  }
0x9c: {  	v3, _, _ =	vpop (xrf2);
	v4 =	vsel vm9, v1, v4;
	v1 =	vadd.f32 v5, v1  }
0x9d: {  	v61, _, _ =	vpop (xrf2);
	v2 =	vadd.f32 v2, v4  }
0x9e: {  	v3 =	vbroadcast v3, $0xF;
	v1 =	vsel vm10, v4, v1;
	v5 =	vbroadcast v61, $0xF  }
0x9f: {  	v1 =	vsel vm11, v1, v2  }
0xa0: {  	v2 =	vadd.f32 v3, v4;
	v3 =	vadd.f32 v5, v1  }
0xa1: {  	v62, _, _ =	vpop (xrf2)  }
0xa2: {  	v63 =	vbroadcast v62, $0xF  }
0xa3: {  	p0 =	sne.s32 s26, $0x7C0;
	v1 =	vsel vm12, v1, v2  }
.Ltmp0:
0xa4: {  	v2 =	vsel vm13, v1, v3;
	v1 =	vadd.f32 v63, v1;
	v3, _, _ =	vpop (xrf2);
	(pc) =	sbr.rel @p0 .LBB2_2-.Ltmp0, $4  }
0xa5: {  	v3 =	vadd.f32 v2, v3  }
0xa6: {  	v1 =	vsel vm14, v2, v1  }
0xa7: {  	v1 =	vsel vm15, v1, v3  }
0xa8: {  	s26 =	sadd.s32 $0x40, s26;
	s23 =	sadd.s32 $0x100, s23;
	s24 =	sadd.s32 $0x100, s24;
	[tilespmem:s29+$0x4800] =	vst v1  }
0xa9: {  	s22 =	sadd.s32 $0x1, s22  }
0xaa: {  	p0 =	sne.s32 s22, s11  }
.Ltmp1:
0xab: {  	_ = 	snop;
	(pc) =	sbr.rel @p0 .LBB2_1-.Ltmp1, $4  }
0xac: {  	[hbm4b:s10+s2] =	stream.linear.scatter [tilespmem:s20], [sflag:$0x2], $0x200, $0x38;
	[tilespmem:$0x4A10] =	vst v63  }
0xad: {  	_ =	swait.ge [sflag:s12], $0x200  }
0xae: {  	[sflag:s12] =	ssyncset.done $0x0  }
0xaf: {  	[sflag:s12] =	ssyncadd.s32 $0xFFFFFE00  }
0xb0: {  	_ =	sfence.sel $0x180000  }
0xb1: {  	[bflag:$0x0] =	sbarrier.arrive $0xFFFF  }
0xb2: {  	_ =	strace $0x90000047  }
0xb3: {  	s0 =	stileid.u32;
	[bflag:$0x2] =	sbarrier.arrive $0xFFFF  }
0xb4: {  	p0 =	sne.s32 s0, $0x0;
	s0 =	rddreg [dreg:$0x4]  }
0xb5: {  	s0 =	sadd.s32 @!p0 $0x100000, s0  }
0xb6: {  	[sflag:s0] =	ssyncadd.tile.s32 @!p0 $0x1;
	_ =	shalt  }
.Lfunc_end2:
_tile_overlayer_lowered:
.L_overlay_start_2:
0xb7: {  	(tag) =	ssettag $0x2  }
0xb8: {  	s0 =	rddreg [dreg:$0x0];
	s2 =	stileid.u32  }
0xb9: {  	s1 =	rddreg [dreg:$0x1];
	p0 =	sne.s32 s2, $0x0  }
0xba: {  	s3 =	rddreg [dreg:$0x2];
	[bflag:$0x3] =	sbarrier.arrive $0xFFFF;
	s2 =	simm.s32 @!p0 $0x1C02  }
0xbb: {  	[timem:s3], [sflag:s2] =	dma.local @!p0 [hbm:s0], s1  }
0xbc: {  	s0 =	simm.s32 @!p0 $0x2  }
0xbd: {  	_ =	swait.ge @!p0 [sflag:s0], s1  }
0xbe: {  	s1 =	ssub.s32 @!p0 $0x0, s1;
	[sflag:s0] =	ssyncset.done @!p0 $0x0  }
0xbf: {  	[sflag:s0] =	ssyncadd.s32 @!p0 s1  }
0xc0: {  	[bflag:$0x3] =	sbarrier.arrive $0xFFFF  }
0xc1: {  	_ =	shalt  }

</sc_bundles>
